<compile_context>
chip_gen: v7x
topology: tpu7x:2x2x1
jax: 0.10.2.dev20260603
libtpu: 0.0.44.dev20260713+nightly
codegen_flags: <defaults>
</compile_context>

<pallas_src>
import functools

import jax
import jax.numpy as jnp
import numpy as np
from jax import lax
from jax.experimental import pallas as pl
from jax.experimental.pallas import tpu as pltpu
from jax.experimental.pallas import tpu_sc as plsc

IMG = 224
GR, GC = 232, 256
N = 32768
NIMG = 24
_L = 16


def _sc_scatter(flat, val):
    mesh = plsc.VectorSubcoreMesh(core_axis_name="c", subcore_axis_name="s")

    @functools.partial(
        pl.kernel,
        out_type=jax.ShapeDtypeStruct((NIMG * GR * GC,), jnp.float32),
        mesh=mesh,
        compiler_params=pltpu.CompilerParams(needs_layout_passes=False),
        scratch_types=[
            pltpu.VMEM((N,), jnp.int32),
            pltpu.VMEM((N,), jnp.float32),
            pltpu.VMEM((GR * GC,), jnp.float32),
            pltpu.SemaphoreType.DMA,
            pltpu.SemaphoreType.DMA,
        ],
    )
    def k(flat_hbm, val_hbm, out_hbm, bi, bv, grid, sem1, sem2):
        cid = lax.axis_index("c")
        sid = lax.axis_index("s")
        wid = sid * 2 + cid

        @pl.when(wid < NIMG)
        def _():
            m = wid
            cp1 = pltpu.async_copy(flat_hbm.at[pl.ds(m * N, N)], bi, sem1)
            cp2 = pltpu.async_copy(val_hbm.at[pl.ds(m * N, N)], bv, sem2)

            zv = jnp.zeros((_L,), jnp.float32)

            def z_body(i, c):
                grid[pl.ds(i * _L, _L)] = zv
                return c

            lax.fori_loop(0, GR * GC // _L, z_body, 0, unroll=8)
            cp1.wait()
            cp2.wait()

            def s_body(j, c):
                vidx = bi[pl.ds(j * _L, _L)]
                vv = bv[pl.ds(j * _L, _L)]
                plsc.addupdate_scatter(grid, [vidx], vv)
                return c

            lax.fori_loop(0, N // _L, s_body, 0, unroll=8)
            pltpu.sync_copy(grid, out_hbm.at[pl.ds(m * GR * GC, GR * GC)])

    return k(flat, val)


def _tc_post(G):

    def body(g_ref, o_ref):
      for bimg in range(4):
        p = g_ref[bimg]
        z1r = jnp.zeros((1, GC), jnp.float32)
        z2r = jnp.zeros((2, GC), jnp.float32)
        r = (p
             + jnp.concatenate([p[1:], z1r], 0)
             + jnp.concatenate([p[2:], z2r], 0)
             + jnp.concatenate([z1r, p[:-1]], 0)
             + jnp.concatenate([z2r, p[:-2]], 0))
        z1c = jnp.zeros((GR, 1), jnp.float32)
        z2c = jnp.zeros((GR, 2), jnp.float32)
        c = (r
             + jnp.concatenate([r[:, 1:], z1c], 1)
             + jnp.concatenate([r[:, 2:], z2c], 1)
             + jnp.concatenate([z1c, r[:, :-1]], 1)
             + jnp.concatenate([z2c, r[:, :-2]], 1))
        ri = lax.broadcasted_iota(jnp.int32, (GR, GC), 0)
        ci = lax.broadcasted_iota(jnp.int32, (GR, GC), 1)
        su = jnp.concatenate([c[1:], z1r], 0)
        f1 = (su + jnp.where(ri == 0, c[0:1], 0.0)
              + jnp.where(ri == IMG - 1, c[226 - 1:226], 0.0))
        sl = jnp.concatenate([f1[:, 1:], z1c], 1)
        f2 = (sl + jnp.where(ci == 0, f1[:, 0:1], 0.0)
              + jnp.where(ci == IMG - 1, f1[:, 226 - 1:226], 0.0))
        s = f2[0:IMG, 0:IMG]
        sig = jax.nn.sigmoid(s)
        d = (sig - 0.485) / 0.229
        dmin = jnp.min(d)
        dmax = jnp.max(d)
        dn = (d - dmin) / (dmax - dmin)
        res = jnp.where(s == 0.0, -1.0, dn)
        o_ref[bimg] = jnp.broadcast_to(res[None], (3, IMG, IMG))

    return pl.pallas_call(
        body,
        grid=(NIMG // 4,),
        in_specs=[pl.BlockSpec((4, GR, GC), lambda i: (i, 0, 0))],
        out_specs=pl.BlockSpec((4, 3, IMG, IMG), lambda i: (i, 0, 0, 0)),
        out_shape=jax.ShapeDtypeStruct((NIMG, 3, IMG, IMG), jnp.float32),
    )(G)


def kernel(x):
    cth = float(np.cos(-np.pi / 2))
    sth = float(np.sin(-np.pi / 2))
    rot = jnp.array([[cth, -sth, 0.0], [sth, cth, 0.0], [0.0, 0.0, 1.0]],
                    dtype=jnp.float32)
    pts1 = x @ rot
    c0, c1, c2 = pts1[..., 0], pts1[..., 1], pts1[..., 2]
    px = jnp.concatenate([c0, c2, c1], axis=0)
    py = jnp.concatenate([c1, c0, c2], axis=0)
    pv = jnp.concatenate([c2, c1, c0], axis=0)

    minx = px.min(axis=1, keepdims=True)
    maxx = px.max(axis=1, keepdims=True)
    miny = py.min(axis=1, keepdims=True)
    maxy = py.max(axis=1, keepdims=True)
    rx = maxx - minx
    ry = maxy - miny
    gs = jnp.maximum(rx, ry) / (IMG - 3)
    ix = jnp.floor((px - minx) / gs).astype(jnp.int32)
    iy = jnp.floor((py - miny) / gs).astype(jnp.int32)
    mix_ = jnp.floor(rx / gs).astype(jnp.int32)
    miy_ = jnp.floor(ry / gs).astype(jnp.int32)
    sx = 113 - ((mix_ + 2) >> 1)
    sy = 113 - ((miy_ + 2) >> 1)
    flat = (ix + sx) * GC + (iy + sy)

    g = _sc_scatter(flat.reshape(-1), pv.reshape(-1)).reshape(NIMG, GR, GC)
    return _tc_post(g)

# --- scband reference (transcript-rebuilt; emitter-appended) ---
"""Pipeline reference for scband-uni3-fc-dino-proj-68719477139 (READ-ONLY COPY).

The authoritative reference and input builder live on the scoring server;
editing this copy changes nothing except your own understanding.
"""

import jax, jax.numpy as jnp
import numpy as np

IMG = 224
OFFSET = np.array([[i, j] for i in range(-2, 3) for j in range(-2, 3)], dtype=np.float32)
IMG_MEAN = np.array([0.485, 0.456, 0.406], dtype=np.float32)
IMG_STD = np.array([0.229, 0.224, 0.225], dtype=np.float32)


def _rotate_z(cloud, angle):
    c, s = float(np.cos(angle)), float(np.sin(angle))
    R = jnp.array([[c, -s, 0.0], [s, c, 0.0], [0.0, 0.0, 1.0]], dtype=jnp.float32)
    return cloud @ R


def _proj2img(pc):
    B, N, _ = pc.shape
    pc_max = pc.max(axis=1)
    pc_min_full = pc.min(axis=1)
    pc_range = pc_max - pc_min_full
    grid_size = pc_range[:, :2].max(axis=-1) / (IMG - 3)
    pc_min = pc_min_full[:, :2][:, None, :]
    gs = grid_size[:, None, None]
    idx_xy = jnp.floor((pc[:, :, :2] - pc_min) / gs)
    off = jnp.asarray(OFFSET)
    idx_dense = (idx_xy[:, :, None, :] + off[None, None, :, :]).reshape(B, N * 25, 2) + 1.0
    center = jnp.floor((idx_dense.max(axis=1) + idx_dense.min(axis=1)) / 2.0)
    offset_x = IMG / 2 - center[:, 0:1] - 1.0
    offset_y = IMG / 2 - center[:, 1:2] - 1.0
    idx_off = idx_dense + jnp.concatenate([offset_x, offset_y], axis=1)[:, None, :]
    f_dense = jnp.broadcast_to(pc[:, :, None, 2:3], (B, N, 25, 1)).reshape(B, N * 25, 1)
    f_dense = jnp.tile(f_dense, (1, 1, 3))
    idx_off = idx_off + (idx_off < 0).astype(jnp.float32) - (idx_off > IMG - 1).astype(jnp.float32)
    flat_idx = (idx_off[:, :, 0] * IMG + idx_off[:, :, 1]).astype(jnp.int32)
    out = jax.vmap(lambda f, i: jax.ops.segment_sum(f, i, num_segments=IMG * IMG))(f_dense, flat_idx)
    img = out.reshape(B, IMG, IMG, 3).transpose(0, 3, 1, 2)
    zero_mask = img == 0
    img = jax.nn.sigmoid(img)
    mean = jnp.asarray(IMG_MEAN)[None, :, None, None]
    std = jnp.asarray(IMG_STD)[None, :, None, None]
    img_norm = (img - mean) / std
    d = img_norm[:, 0:1]
    dmax = d.max(axis=(1, 2, 3), keepdims=True)
    dmin = d.min(axis=(1, 2, 3), keepdims=True)
    dn = (d - dmin) / (dmax - dmin)
    colored = jnp.concatenate([dn, dn, dn], axis=1)
    return jnp.where(zero_mask, -1.0, colored)


def setup_inputs(seed: int = 0) -> dict:
    key = jax.random.key(seed)
    x = jax.random.normal(key, (8, 32768, 3), dtype=jnp.float32)
    return {"x": x}


def reference(x):
    pts_1 = _rotate_z(x, -np.pi / 2)
    pts_2 = jnp.concatenate((pts_1[..., 2:3], pts_1[..., 0:2]), axis=-1)
    pts_3 = jnp.concatenate((pts_1[..., 1:3], pts_1[..., 0:1]), axis=-1)
    imgs_1 = _proj2img(pts_1)
    imgs_2 = _proj2img(pts_2)
    imgs_3 = _proj2img(pts_3)
    return jnp.concatenate((imgs_1, imgs_2, imgs_3), axis=0)

if __name__ == "__main__":
    import jax
    _d = setup_inputs()
    print(jax.jit(kernel)(*tuple(_d.values())))

</pallas_src>

<mosaic_0001>
#map = affine_map<(d0, d1) -> (0)>
module attributes {stable_mosaic.version = 14 : i64} {
  func.func @k(%arg0: i32, %arg1: i32, %arg2: memref<786432xi32, #tpu.memory_space<hbm>>, %arg3: memref<786432xf32, #tpu.memory_space<hbm>>, %arg4: memref<1425408xf32, #tpu.memory_space<hbm>>, %arg5: memref<32768xi32, #tpu.memory_space<vmem>>, %arg6: memref<32768xf32, #tpu.memory_space<vmem>>, %arg7: memref<59392xf32, #tpu.memory_space<vmem>>, %arg8: memref<!tpu.dma_semaphore, #tpu.memory_space<semaphore_mem>>, %arg9: memref<!tpu.dma_semaphore, #tpu.memory_space<semaphore_mem>>) attributes {dimension_semantics = [#tpu.dimension_semantics<core_parallel>, #tpu.dimension_semantics<subcore_parallel>], iteration_bounds = array<i64: 2, 16>, scalar_prefetch = 0 : i64, scratch_operands = 5 : i64, tpu.core_type = #tpu.core_type<sc_vector_subcore>, window_params = [{transform_indices = #map}, {transform_indices = #map}, {transform_indices = #map}]} {
    %mul3A = arith.constant 2 : i32
    %mul3A_0 = arith.muli %arg1, %mul3A : i32
    %add3A = arith.addi %mul3A_0, %arg0 : i32
    %lt3A = arith.constant 24 : i32
    %lt3A_1 = arith.cmpi slt, %add3A, %lt3A : i32
    %convert_element_type3A = arith.extui %lt3A_1 : i1 to i32
    %cond3A = arith.constant 0 : i32
    %cond3A_2 = arith.cmpi ne, %convert_element_type3A, %cond3A : i32
    scf.if %cond3A_2 {
      %mul3A_3 = arith.constant 32768 : i32
      %mul3A_4 = arith.muli %add3A, %mul3A_3 : i32
      %dma_start3A = tpu.memref_slice %arg2[%mul3A_4] : memref<786432xi32, #tpu.memory_space<hbm>> -> memref<32768xi32, #tpu.memory_space<hbm>>
      %dma_start3A_5 = tpu.memref_slice %arg2[%mul3A_4] : memref<786432xi32, #tpu.memory_space<hbm>> -> memref<32768xi32, #tpu.memory_space<hbm>>
      tpu.enqueue_dma source(%dma_start3A_5 : memref<32768xi32, #tpu.memory_space<hbm>>) target(%arg5 : memref<32768xi32, #tpu.memory_space<vmem>>) target_semaphore(%arg8 : memref<!tpu.dma_semaphore, #tpu.memory_space<semaphore_mem>>)
      %mul3A_6 = arith.constant 32768 : i32
      %mul3A_7 = arith.muli %add3A, %mul3A_6 : i32
      %dma_start3A_8 = tpu.memref_slice %arg3[%mul3A_7] : memref<786432xf32, #tpu.memory_space<hbm>> -> memref<32768xf32, #tpu.memory_space<hbm>>
      %dma_start3A_9 = tpu.memref_slice %arg3[%mul3A_7] : memref<786432xf32, #tpu.memory_space<hbm>> -> memref<32768xf32, #tpu.memory_space<hbm>>
      tpu.enqueue_dma source(%dma_start3A_9 : memref<32768xf32, #tpu.memory_space<hbm>>) target(%arg6 : memref<32768xf32, #tpu.memory_space<vmem>>) target_semaphore(%arg9 : memref<!tpu.dma_semaphore, #tpu.memory_space<semaphore_mem>>)
      %broadcast_in_dim3A = arith.constant 0.000000e+00 : f32
      %broadcast_in_dim3A_10 = vector.broadcast %broadcast_in_dim3A : f32 to vector<16xf32>
      %scan3A = arith.constant 0 : i32
      %scan3A_11 = arith.constant 0 : i32
      %scan3A_12 = arith.constant 3712 : i32
      %scan3A_13 = arith.addi %scan3A_11, %scan3A_12 : i32
      %scan3A_14 = arith.constant 8 : i32
      scf.for %scan3A_29 = %scan3A_11 to %scan3A_13 step %scan3A_14  : i32 {
        %mul3A_30 = arith.constant 16 : i32
        %mul3A_31 = arith.muli %scan3A_29, %mul3A_30 : i32
        %swap3A = arith.index_cast %mul3A_31 : i32 to index
        %swap3A_32 = tpu.vector_load %arg7[%swap3A] {strides = array<i32>} : memref<59392xf32, #tpu.memory_space<vmem>>, vector<16xf32>,
        tpu.vector_store %arg7[%swap3A], %broadcast_in_dim3A_10 {strides = array<i32>} : memref<59392xf32, #tpu.memory_space<vmem>>, vector<16xf32>,
        %scan3A_33 = arith.constant 1 : i32
        %scan3A_34 = arith.addi %scan3A_29, %scan3A_33 : i32
        %mul3A_35 = arith.constant 16 : i32
        %mul3A_36 = arith.muli %scan3A_34, %mul3A_35 : i32
        %swap3A_37 = arith.index_cast %mul3A_36 : i32 to index
        %swap3A_38 = tpu.vector_load %arg7[%swap3A_37] {strides = array<i32>} : memref<59392xf32, #tpu.memory_space<vmem>>, vector<16xf32>,
        tpu.vector_store %arg7[%swap3A_37], %broadcast_in_dim3A_10 {strides = array<i32>} : memref<59392xf32, #tpu.memory_space<vmem>>, vector<16xf32>,
        %scan3A_39 = arith.constant 2 : i32
        %scan3A_40 = arith.addi %scan3A_29, %scan3A_39 : i32
        %mul3A_41 = arith.constant 16 : i32
        %mul3A_42 = arith.muli %scan3A_40, %mul3A_41 : i32
        %swap3A_43 = arith.index_cast %mul3A_42 : i32 to index
        %swap3A_44 = tpu.vector_load %arg7[%swap3A_43] {strides = array<i32>} : memref<59392xf32, #tpu.memory_space<vmem>>, vector<16xf32>,
        tpu.vector_store %arg7[%swap3A_43], %broadcast_in_dim3A_10 {strides = array<i32>} : memref<59392xf32, #tpu.memory_space<vmem>>, vector<16xf32>,
        %scan3A_45 = arith.constant 3 : i32
        %scan3A_46 = arith.addi %scan3A_29, %scan3A_45 : i32
        %mul3A_47 = arith.constant 16 : i32
        %mul3A_48 = arith.muli %scan3A_46, %mul3A_47 : i32
        %swap3A_49 = arith.index_cast %mul3A_48 : i32 to index
        %swap3A_50 = tpu.vector_load %arg7[%swap3A_49] {strides = array<i32>} : memref<59392xf32, #tpu.memory_space<vmem>>, vector<16xf32>,
        tpu.vector_store %arg7[%swap3A_49], %broadcast_in_dim3A_10 {strides = array<i32>} : memref<59392xf32, #tpu.memory_space<vmem>>, vector<16xf32>,
        %scan3A_51 = arith.constant 4 : i32
        %scan3A_52 = arith.addi %scan3A_29, %scan3A_51 : i32
        %mul3A_53 = arith.constant 16 : i32
        %mul3A_54 = arith.muli %scan3A_52, %mul3A_53 : i32
        %swap3A_55 = arith.index_cast %mul3A_54 : i32 to index
        %swap3A_56 = tpu.vector_load %arg7[%swap3A_55] {strides = array<i32>} : memref<59392xf32, #tpu.memory_space<vmem>>, vector<16xf32>,
        tpu.vector_store %arg7[%swap3A_55], %broadcast_in_dim3A_10 {strides = array<i32>} : memref<59392xf32, #tpu.memory_space<vmem>>, vector<16xf32>,
        %scan3A_57 = arith.constant 5 : i32
        %scan3A_58 = arith.addi %scan3A_29, %scan3A_57 : i32
        %mul3A_59 = arith.constant 16 : i32
        %mul3A_60 = arith.muli %scan3A_58, %mul3A_59 : i32
        %swap3A_61 = arith.index_cast %mul3A_60 : i32 to index
        %swap3A_62 = tpu.vector_load %arg7[%swap3A_61] {strides = array<i32>} : memref<59392xf32, #tpu.memory_space<vmem>>, vector<16xf32>,
        tpu.vector_store %arg7[%swap3A_61], %broadcast_in_dim3A_10 {strides = array<i32>} : memref<59392xf32, #tpu.memory_space<vmem>>, vector<16xf32>,
        %scan3A_63 = arith.constant 6 : i32
        %scan3A_64 = arith.addi %scan3A_29, %scan3A_63 : i32
        %mul3A_65 = arith.constant 16 : i32
        %mul3A_66 = arith.muli %scan3A_64, %mul3A_65 : i32
        %swap3A_67 = arith.index_cast %mul3A_66 : i32 to index
        %swap3A_68 = tpu.vector_load %arg7[%swap3A_67] {strides = array<i32>} : memref<59392xf32, #tpu.memory_space<vmem>>, vector<16xf32>,
        tpu.vector_store %arg7[%swap3A_67], %broadcast_in_dim3A_10 {strides = array<i32>} : memref<59392xf32, #tpu.memory_space<vmem>>, vector<16xf32>,
        %scan3A_69 = arith.constant 7 : i32
        %scan3A_70 = arith.addi %scan3A_29, %scan3A_69 : i32
        %mul3A_71 = arith.constant 16 : i32
        %mul3A_72 = arith.muli %scan3A_70, %mul3A_71 : i32
        %swap3A_73 = arith.index_cast %mul3A_72 : i32 to index
        %swap3A_74 = tpu.vector_load %arg7[%swap3A_73] {strides = array<i32>} : memref<59392xf32, #tpu.memory_space<vmem>>, vector<16xf32>,
        tpu.vector_store %arg7[%swap3A_73], %broadcast_in_dim3A_10 {strides = array<i32>} : memref<59392xf32, #tpu.memory_space<vmem>>, vector<16xf32>,
      }
      %scan3A_15 = arith.constant 3712 : i32
      %dma_wait3A = tpu.memref_slice %arg2[%mul3A_4] : memref<786432xi32, #tpu.memory_space<hbm>> -> memref<32768xi32, #tpu.memory_space<hbm>>
      %dma_wait3A_16 = tpu.memref_slice %arg2[%mul3A_4] : memref<786432xi32, #tpu.memory_space<hbm>> -> memref<32768xi32, #tpu.memory_space<hbm>>
      tpu.wait_dma2 semaphore(%arg8 : memref<!tpu.dma_semaphore, #tpu.memory_space<semaphore_mem>>) src(%dma_wait3A_16 : memref<32768xi32, #tpu.memory_space<hbm>>) dst(%arg5 : memref<32768xi32, #tpu.memory_space<vmem>>)
      %dma_wait3A_17 = tpu.memref_slice %arg3[%mul3A_7] : memref<786432xf32, #tpu.memory_space<hbm>> -> memref<32768xf32, #tpu.memory_space<hbm>>
      %dma_wait3A_18 = tpu.memref_slice %arg3[%mul3A_7] : memref<786432xf32, #tpu.memory_space<hbm>> -> memref<32768xf32, #tpu.memory_space<hbm>>
      tpu.wait_dma2 semaphore(%arg9 : memref<!tpu.dma_semaphore, #tpu.memory_space<semaphore_mem>>) src(%dma_wait3A_18 : memref<32768xf32, #tpu.memory_space<hbm>>) dst(%arg6 : memref<32768xf32, #tpu.memory_space<vmem>>)
      %scan3A_19 = arith.constant 0 : i32
      %scan3A_20 = arith.constant 0 : i32
      %scan3A_21 = arith.constant 2048 : i32
      %scan3A_22 = arith.addi %scan3A_20, %scan3A_21 : i32
      %scan3A_23 = arith.constant 8 : i32
      scf.for %scan3A_29 = %scan3A_20 to %scan3A_22 step %scan3A_23  : i32 {
        %mul3A_30 = arith.constant 16 : i32
        %mul3A_31 = arith.muli %scan3A_29, %mul3A_30 : i32
        %get3A = arith.index_cast %mul3A_31 : i32 to index
        %get3A_32 = tpu.vector_load %arg5[%get3A] {strides = array<i32>} : memref<32768xi32, #tpu.memory_space<vmem>>, vector<16xi32>,
        %mul3A_33 = arith.constant 16 : i32
        %mul3A_34 = arith.muli %scan3A_29, %mul3A_33 : i32
        %get3A_35 = arith.index_cast %mul3A_34 : i32 to index
        %get3A_36 = tpu.vector_load %arg6[%get3A_35] {strides = array<i32>} : memref<32768xf32, #tpu.memory_space<vmem>>, vector<16xf32>,
        tpu.vector_store_idx %arg7[%get3A_32], %get3A_36 {add = true} : memref<59392xf32, #tpu.memory_space<vmem>>[vector<16xi32>], vector<16xf32>,
        %scan3A_37 = arith.constant 1 : i32
        %scan3A_38 = arith.addi %scan3A_29, %scan3A_37 : i32
        %mul3A_39 = arith.constant 16 : i32
        %mul3A_40 = arith.muli %scan3A_38, %mul3A_39 : i32
        %get3A_41 = arith.index_cast %mul3A_40 : i32 to index
        %get3A_42 = tpu.vector_load %arg5[%get3A_41] {strides = array<i32>} : memref<32768xi32, #tpu.memory_space<vmem>>, vector<16xi32>,
        %mul3A_43 = arith.constant 16 : i32
        %mul3A_44 = arith.muli %scan3A_38, %mul3A_43 : i32
        %get3A_45 = arith.index_cast %mul3A_44 : i32 to index
        %get3A_46 = tpu.vector_load %arg6[%get3A_45] {strides = array<i32>} : memref<32768xf32, #tpu.memory_space<vmem>>, vector<16xf32>,
        tpu.vector_store_idx %arg7[%get3A_42], %get3A_46 {add = true} : memref<59392xf32, #tpu.memory_space<vmem>>[vector<16xi32>], vector<16xf32>,
        %scan3A_47 = arith.constant 2 : i32
        %scan3A_48 = arith.addi %scan3A_29, %scan3A_47 : i32
        %mul3A_49 = arith.constant 16 : i32
        %mul3A_50 = arith.muli %scan3A_48, %mul3A_49 : i32
        %get3A_51 = arith.index_cast %mul3A_50 : i32 to index
        %get3A_52 = tpu.vector_load %arg5[%get3A_51] {strides = array<i32>} : memref<32768xi32, #tpu.memory_space<vmem>>, vector<16xi32>,
        %mul3A_53 = arith.constant 16 : i32
        %mul3A_54 = arith.muli %scan3A_48, %mul3A_53 : i32
        %get3A_55 = arith.index_cast %mul3A_54 : i32 to index
        %get3A_56 = tpu.vector_load %arg6[%get3A_55] {strides = array<i32>} : memref<32768xf32, #tpu.memory_space<vmem>>, vector<16xf32>,
        tpu.vector_store_idx %arg7[%get3A_52], %get3A_56 {add = true} : memref<59392xf32, #tpu.memory_space<vmem>>[vector<16xi32>], vector<16xf32>,
        %scan3A_57 = arith.constant 3 : i32
        %scan3A_58 = arith.addi %scan3A_29, %scan3A_57 : i32
        %mul3A_59 = arith.constant 16 : i32
        %mul3A_60 = arith.muli %scan3A_58, %mul3A_59 : i32
        %get3A_61 = arith.index_cast %mul3A_60 : i32 to index
        %get3A_62 = tpu.vector_load %arg5[%get3A_61] {strides = array<i32>} : memref<32768xi32, #tpu.memory_space<vmem>>, vector<16xi32>,
        %mul3A_63 = arith.constant 16 : i32
        %mul3A_64 = arith.muli %scan3A_58, %mul3A_63 : i32
        %get3A_65 = arith.index_cast %mul3A_64 : i32 to index
        %get3A_66 = tpu.vector_load %arg6[%get3A_65] {strides = array<i32>} : memref<32768xf32, #tpu.memory_space<vmem>>, vector<16xf32>,
        tpu.vector_store_idx %arg7[%get3A_62], %get3A_66 {add = true} : memref<59392xf32, #tpu.memory_space<vmem>>[vector<16xi32>], vector<16xf32>,
        %scan3A_67 = arith.constant 4 : i32
        %scan3A_68 = arith.addi %scan3A_29, %scan3A_67 : i32
        %mul3A_69 = arith.constant 16 : i32
        %mul3A_70 = arith.muli %scan3A_68, %mul3A_69 : i32
        %get3A_71 = arith.index_cast %mul3A_70 : i32 to index
        %get3A_72 = tpu.vector_load %arg5[%get3A_71] {strides = array<i32>} : memref<32768xi32, #tpu.memory_space<vmem>>, vector<16xi32>,
        %mul3A_73 = arith.constant 16 : i32
        %mul3A_74 = arith.muli %scan3A_68, %mul3A_73 : i32
        %get3A_75 = arith.index_cast %mul3A_74 : i32 to index
        %get3A_76 = tpu.vector_load %arg6[%get3A_75] {strides = array<i32>} : memref<32768xf32, #tpu.memory_space<vmem>>, vector<16xf32>,
        tpu.vector_store_idx %arg7[%get3A_72], %get3A_76 {add = true} : memref<59392xf32, #tpu.memory_space<vmem>>[vector<16xi32>], vector<16xf32>,
        %scan3A_77 = arith.constant 5 : i32
        %scan3A_78 = arith.addi %scan3A_29, %scan3A_77 : i32
        %mul3A_79 = arith.constant 16 : i32
        %mul3A_80 = arith.muli %scan3A_78, %mul3A_79 : i32
        %get3A_81 = arith.index_cast %mul3A_80 : i32 to index
        %get3A_82 = tpu.vector_load %arg5[%get3A_81] {strides = array<i32>} : memref<32768xi32, #tpu.memory_space<vmem>>, vector<16xi32>,
        %mul3A_83 = arith.constant 16 : i32
        %mul3A_84 = arith.muli %scan3A_78, %mul3A_83 : i32
        %get3A_85 = arith.index_cast %mul3A_84 : i32 to index
        %get3A_86 = tpu.vector_load %arg6[%get3A_85] {strides = array<i32>} : memref<32768xf32, #tpu.memory_space<vmem>>, vector<16xf32>,
        tpu.vector_store_idx %arg7[%get3A_82], %get3A_86 {add = true} : memref<59392xf32, #tpu.memory_space<vmem>>[vector<16xi32>], vector<16xf32>,
        %scan3A_87 = arith.constant 6 : i32
        %scan3A_88 = arith.addi %scan3A_29, %scan3A_87 : i32
        %mul3A_89 = arith.constant 16 : i32
        %mul3A_90 = arith.muli %scan3A_88, %mul3A_89 : i32
        %get3A_91 = arith.index_cast %mul3A_90 : i32 to index
        %get3A_92 = tpu.vector_load %arg5[%get3A_91] {strides = array<i32>} : memref<32768xi32, #tpu.memory_space<vmem>>, vector<16xi32>,
        %mul3A_93 = arith.constant 16 : i32
        %mul3A_94 = arith.muli %scan3A_88, %mul3A_93 : i32
        %get3A_95 = arith.index_cast %mul3A_94 : i32 to index
        %get3A_96 = tpu.vector_load %arg6[%get3A_95] {strides = array<i32>} : memref<32768xf32, #tpu.memory_space<vmem>>, vector<16xf32>,
        tpu.vector_store_idx %arg7[%get3A_92], %get3A_96 {add = true} : memref<59392xf32, #tpu.memory_space<vmem>>[vector<16xi32>], vector<16xf32>,
        %scan3A_97 = arith.constant 7 : i32
        %scan3A_98 = arith.addi %scan3A_29, %scan3A_97 : i32
        %mul3A_99 = arith.constant 16 : i32
        %mul3A_100 = arith.muli %scan3A_98, %mul3A_99 : i32
        %get3A_101 = arith.index_cast %mul3A_100 : i32 to index
        %get3A_102 = tpu.vector_load %arg5[%get3A_101] {strides = array<i32>} : memref<32768xi32, #tpu.memory_space<vmem>>, vector<16xi32>,
        %mul3A_103 = arith.constant 16 : i32
        %mul3A_104 = arith.muli %scan3A_98, %mul3A_103 : i32
        %get3A_105 = arith.index_cast %mul3A_104 : i32 to index
        %get3A_106 = tpu.vector_load %arg6[%get3A_105] {strides = array<i32>} : memref<32768xf32, #tpu.memory_space<vmem>>, vector<16xf32>,
        tpu.vector_store_idx %arg7[%get3A_102], %get3A_106 {add = true} : memref<59392xf32, #tpu.memory_space<vmem>>[vector<16xi32>], vector<16xf32>,
      }
      %scan3A_24 = arith.constant 2048 : i32
      %mul3A_25 = arith.constant 232 : i32
      %mul3A_26 = arith.muli %add3A, %mul3A_25 : i32
      %mul3A_27 = arith.constant 256 : i32
      %mul3A_28 = arith.muli %mul3A_26, %mul3A_27 : i32
      "tpu.region"() ({
        %run_scoped3A = tpu.sem_alloc : memref<!tpu.dma_semaphore, #tpu.memory_space<semaphore_mem>>
        %dma_start3A_29 = tpu.memref_slice %arg4[%mul3A_28] : memref<1425408xf32, #tpu.memory_space<hbm>> -> memref<59392xf32, #tpu.memory_space<hbm>>
        %dma_start3A_30 = tpu.memref_slice %arg4[%mul3A_28] : memref<1425408xf32, #tpu.memory_space<hbm>> -> memref<59392xf32, #tpu.memory_space<hbm>>
        tpu.enqueue_dma source(%arg7 : memref<59392xf32, #tpu.memory_space<vmem>>) target(%dma_start3A_30 : memref<59392xf32, #tpu.memory_space<hbm>>) target_semaphore(%run_scoped3A : memref<!tpu.dma_semaphore, #tpu.memory_space<semaphore_mem>>)
        %dma_wait3A_31 = tpu.memref_slice %arg4[%mul3A_28] : memref<1425408xf32, #tpu.memory_space<hbm>> -> memref<59392xf32, #tpu.memory_space<hbm>>
        %dma_wait3A_32 = tpu.memref_slice %arg4[%mul3A_28] : memref<1425408xf32, #tpu.memory_space<hbm>> -> memref<59392xf32, #tpu.memory_space<hbm>>
        tpu.wait_dma2 semaphore(%run_scoped3A : memref<!tpu.dma_semaphore, #tpu.memory_space<semaphore_mem>>) src(%arg7 : memref<59392xf32, #tpu.memory_space<vmem>>) dst(%dma_wait3A_32 : memref<59392xf32, #tpu.memory_space<hbm>>)
        tpu.yield
      }) : () -> ()
    } else {
    }
    return
  }
}

module attributes {stable_mosaic.version = 14 : i64} {
  func.func @body(%arg0: i32, %arg1: memref<4x232x256xf32, #tpu.memory_space<vmem>>, %arg2: memref<4x3x224x224xf32, #tpu.memory_space<vmem>>) attributes {dimension_semantics = [#tpu.dimension_semantics<arbitrary>], iteration_bounds = array<i64: 6>, scalar_prefetch = 0 : i64, scratch_operands = 0 : i64, tpu.core_type = #tpu.core_type<tc>, window_params = [{transform_indices = @transform_0, window_bounds = array<i64: 4, 232, 256>}, {transform_indices = @transform_1, window_bounds = array<i64: 4, 3, 224, 224>}]} {
    %get3A = arith.constant 0 : index
    %get3A_0 = arith.constant 0 : index
    %get3A_1 = arith.constant 0 : index
    %get3A_2 = vector.load %arg1[%get3A, %get3A_0, %get3A_1] : memref<4x232x256xf32, #tpu.memory_space<vmem>>, vector<1x232x256xf32>
    %get3A_3 = vector.shape_cast %get3A_2 : vector<1x232x256xf32> to vector<232x256xf32>
    %broadcast_in_dim3A = arith.constant 0.000000e+00 : f32
    %broadcast_in_dim3A_4 = vector.broadcast %broadcast_in_dim3A : f32 to vector<1x256xf32>
    %broadcast_in_dim3A_5 = arith.constant 0.000000e+00 : f32
    %broadcast_in_dim3A_6 = vector.broadcast %broadcast_in_dim3A_5 : f32 to vector<2x256xf32>
    %slice3A = vector.extract_strided_slice %get3A_3 {offsets = [1, 0], sizes = [231, 256], strides = [1, 1]} : vector<232x256xf32> to vector<231x256xf32>
    %concatenate3A = tpu.concatenate %slice3A, %broadcast_in_dim3A_4 in 0 : vector<231x256xf32>, vector<1x256xf32> -> vector<232x256xf32>
    %add3A = arith.addf %get3A_3, %concatenate3A : vector<232x256xf32>
    %slice3A_7 = vector.extract_strided_slice %get3A_3 {offsets = [2, 0], sizes = [230, 256], strides = [1, 1]} : vector<232x256xf32> to vector<230x256xf32>
    %concatenate3A_8 = tpu.concatenate %slice3A_7, %broadcast_in_dim3A_6 in 0 : vector<230x256xf32>, vector<2x256xf32> -> vector<232x256xf32>
    %add3A_9 = arith.addf %add3A, %concatenate3A_8 : vector<232x256xf32>
    %slice3A_10 = vector.extract_strided_slice %get3A_3 {offsets = [0, 0], sizes = [231, 256], strides = [1, 1]} : vector<232x256xf32> to vector<231x256xf32>
    %concatenate3A_11 = tpu.concatenate %broadcast_in_dim3A_4, %slice3A_10 in 0 : vector<1x256xf32>, vector<231x256xf32> -> vector<232x256xf32>
    %add3A_12 = arith.addf %add3A_9, %concatenate3A_11 : vector<232x256xf32>
    %slice3A_13 = vector.extract_strided_slice %get3A_3 {offsets = [0, 0], sizes = [230, 256], strides = [1, 1]} : vector<232x256xf32> to vector<230x256xf32>
    %concatenate3A_14 = tpu.concatenate %broadcast_in_dim3A_6, %slice3A_13 in 0 : vector<2x256xf32>, vector<230x256xf32> -> vector<232x256xf32>
    %add3A_15 = arith.addf %add3A_12, %concatenate3A_14 : vector<232x256xf32>
    %broadcast_in_dim3A_16 = arith.constant 0.000000e+00 : f32
    %broadcast_in_dim3A_17 = vector.broadcast %broadcast_in_dim3A_16 : f32 to vector<232x1xf32>
    %broadcast_in_dim3A_18 = arith.constant 0.000000e+00 : f32
    %broadcast_in_dim3A_19 = vector.broadcast %broadcast_in_dim3A_18 : f32 to vector<232x2xf32>
    %slice3A_20 = vector.extract_strided_slice %add3A_15 {offsets = [0, 1], sizes = [232, 255], strides = [1, 1]} : vector<232x256xf32> to vector<232x255xf32>
    %concatenate3A_21 = tpu.concatenate %slice3A_20, %broadcast_in_dim3A_17 in 1 : vector<232x255xf32>, vector<232x1xf32> -> vector<232x256xf32>
    %add3A_22 = arith.addf %add3A_15, %concatenate3A_21 : vector<232x256xf32>
    %slice3A_23 = vector.extract_strided_slice %add3A_15 {offsets = [0, 2], sizes = [232, 254], strides = [1, 1]} : vector<232x256xf32> to vector<232x254xf32>
    %concatenate3A_24 = tpu.concatenate %slice3A_23, %broadcast_in_dim3A_19 in 1 : vector<232x254xf32>, vector<232x2xf32> -> vector<232x256xf32>
    %add3A_25 = arith.addf %add3A_22, %concatenate3A_24 : vector<232x256xf32>
    %slice3A_26 = vector.extract_strided_slice %add3A_15 {offsets = [0, 0], sizes = [232, 255], strides = [1, 1]} : vector<232x256xf32> to vector<232x255xf32>
    %concatenate3A_27 = tpu.concatenate %broadcast_in_dim3A_17, %slice3A_26 in 1 : vector<232x1xf32>, vector<232x255xf32> -> vector<232x256xf32>
    %add3A_28 = arith.addf %add3A_25, %concatenate3A_27 : vector<232x256xf32>
    %slice3A_29 = vector.extract_strided_slice %add3A_15 {offsets = [0, 0], sizes = [232, 254], strides = [1, 1]} : vector<232x256xf32> to vector<232x254xf32>
    %concatenate3A_30 = tpu.concatenate %broadcast_in_dim3A_19, %slice3A_29 in 1 : vector<232x2xf32>, vector<232x254xf32> -> vector<232x256xf32>
    %add3A_31 = arith.addf %add3A_28, %concatenate3A_30 : vector<232x256xf32>
    %iota3A = tpu.iota {dimensions = array<i32: 0>} : vector<232x256xi32>
    %iota3A_32 = tpu.iota {dimensions = array<i32: 1>} : vector<232x256xi32>
    %slice3A_33 = vector.extract_strided_slice %add3A_31 {offsets = [1, 0], sizes = [231, 256], strides = [1, 1]} : vector<232x256xf32> to vector<231x256xf32>
    %concatenate3A_34 = tpu.concatenate %slice3A_33, %broadcast_in_dim3A_4 in 0 : vector<231x256xf32>, vector<1x256xf32> -> vector<232x256xf32>
    %eq3A = arith.constant 0 : i32
    %eq3A_35 = vector.broadcast %eq3A : i32 to vector<232x256xi32>
    %eq3A_36 = arith.cmpi eq, %iota3A, %eq3A_35 : vector<232x256xi32>
    %slice3A_37 = vector.extract_strided_slice %add3A_31 {offsets = [0, 0], sizes = [1, 256], strides = [1, 1]} : vector<232x256xf32> to vector<1x256xf32>
    %jit3A = arith.constant 0.000000e+00 : f32
    %broadcast_in_dim3A_38 = vector.shape_cast %slice3A_37 : vector<1x256xf32> to vector<1x256xf32>
    %broadcast_in_dim3A_39 = vector.broadcast %broadcast_in_dim3A_38 : vector<1x256xf32> to vector<232x256xf32>
    %broadcast_in_dim3A_40 = vector.broadcast %jit3A : f32 to vector<232x256xf32>
    %select_n3A = arith.select %eq3A_36, %broadcast_in_dim3A_39, %broadcast_in_dim3A_40 : vector<232x256xi1>, vector<232x256xf32>
    %add3A_41 = arith.addf %concatenate3A_34, %select_n3A : vector<232x256xf32>
    %eq3A_42 = arith.constant 223 : i32
    %eq3A_43 = vector.broadcast %eq3A_42 : i32 to vector<232x256xi32>
    %eq3A_44 = arith.cmpi eq, %iota3A, %eq3A_43 : vector<232x256xi32>
    %slice3A_45 = vector.extract_strided_slice %add3A_31 {offsets = [225, 0], sizes = [1, 256], strides = [1, 1]} : vector<232x256xf32> to vector<1x256xf32>
    %jit3A_46 = arith.constant 0.000000e+00 : f32
    %broadcast_in_dim3A_47 = vector.shape_cast %slice3A_45 : vector<1x256xf32> to vector<1x256xf32>
    %broadcast_in_dim3A_48 = vector.broadcast %broadcast_in_dim3A_47 : vector<1x256xf32> to vector<232x256xf32>
    %broadcast_in_dim3A_49 = vector.broadcast %jit3A_46 : f32 to vector<232x256xf32>
    %select_n3A_50 = arith.select %eq3A_44, %broadcast_in_dim3A_48, %broadcast_in_dim3A_49 : vector<232x256xi1>, vector<232x256xf32>
    %add3A_51 = arith.addf %add3A_41, %select_n3A_50 : vector<232x256xf32>
    %slice3A_52 = vector.extract_strided_slice %add3A_51 {offsets = [0, 1], sizes = [232, 255], strides = [1, 1]} : vector<232x256xf32> to vector<232x255xf32>
    %concatenate3A_53 = tpu.concatenate %slice3A_52, %broadcast_in_dim3A_17 in 1 : vector<232x255xf32>, vector<232x1xf32> -> vector<232x256xf32>
    %eq3A_54 = arith.constant 0 : i32
    %eq3A_55 = vector.broadcast %eq3A_54 : i32 to vector<232x256xi32>
    %eq3A_56 = arith.cmpi eq, %iota3A_32, %eq3A_55 : vector<232x256xi32>
    %slice3A_57 = vector.extract_strided_slice %add3A_51 {offsets = [0, 0], sizes = [232, 1], strides = [1, 1]} : vector<232x256xf32> to vector<232x1xf32>
    %jit3A_58 = arith.constant 0.000000e+00 : f32
    %broadcast_in_dim3A_59 = vector.shape_cast %slice3A_57 : vector<232x1xf32> to vector<232x1xf32>
    %broadcast_in_dim3A_60 = vector.broadcast %broadcast_in_dim3A_59 : vector<232x1xf32> to vector<232x256xf32>
    %broadcast_in_dim3A_61 = vector.broadcast %jit3A_58 : f32 to vector<232x256xf32>
    %select_n3A_62 = arith.select %eq3A_56, %broadcast_in_dim3A_60, %broadcast_in_dim3A_61 : vector<232x256xi1>, vector<232x256xf32>
    %add3A_63 = arith.addf %concatenate3A_53, %select_n3A_62 : vector<232x256xf32>
    %eq3A_64 = arith.constant 223 : i32
    %eq3A_65 = vector.broadcast %eq3A_64 : i32 to vector<232x256xi32>
    %eq3A_66 = arith.cmpi eq, %iota3A_32, %eq3A_65 : vector<232x256xi32>
    %slice3A_67 = vector.extract_strided_slice %add3A_51 {offsets = [0, 225], sizes = [232, 1], strides = [1, 1]} : vector<232x256xf32> to vector<232x1xf32>
    %jit3A_68 = arith.constant 0.000000e+00 : f32
    %broadcast_in_dim3A_69 = vector.shape_cast %slice3A_67 : vector<232x1xf32> to vector<232x1xf32>
    %broadcast_in_dim3A_70 = vector.broadcast %broadcast_in_dim3A_69 : vector<232x1xf32> to vector<232x256xf32>
    %broadcast_in_dim3A_71 = vector.broadcast %jit3A_68 : f32 to vector<232x256xf32>
    %select_n3A_72 = arith.select %eq3A_66, %broadcast_in_dim3A_70, %broadcast_in_dim3A_71 : vector<232x256xi1>, vector<232x256xf32>
    %add3A_73 = arith.addf %add3A_63, %select_n3A_72 : vector<232x256xf32>
    %slice3A_74 = vector.extract_strided_slice %add3A_73 {offsets = [0, 0], sizes = [224, 224], strides = [1, 1]} : vector<232x256xf32> to vector<224x224xf32>
    %logistic3A = arith.negf %slice3A_74 : vector<224x224xf32>
    %logistic3A_75 = math.exp %logistic3A : vector<224x224xf32>
    %logistic3A_76 = arith.constant 1.000000e+00 : f32
    %logistic3A_77 = vector.broadcast %logistic3A_76 : f32 to vector<224x224xf32>
    %logistic3A_78 = arith.addf %logistic3A_77, %logistic3A_75 : vector<224x224xf32>
    %logistic3A_79 = arith.divf %logistic3A_77, %logistic3A_78 : vector<224x224xf32>
    %sub3A = arith.constant 4.850000e-01 : f32
    %sub3A_80 = vector.broadcast %sub3A : f32 to vector<224x224xf32>
    %sub3A_81 = arith.subf %logistic3A_79, %sub3A_80 : vector<224x224xf32>
    %div3A = arith.constant 2.290000e-01 : f32
    %div3A_82 = vector.broadcast %div3A : f32 to vector<224x224xf32>
    %div3A_83 = arith.divf %sub3A_81, %div3A_82 : vector<224x224xf32>
    %reduce_min3A = vector.shape_cast %div3A_83 : vector<224x224xf32> to vector<1x224x224xf32>
    %reduce_min3A_84 = arith.constant dense<0x7F800000> : vector<1xf32>
    %reduce_min3A_85 = vector.multi_reduction <minimumf>, %reduce_min3A, %reduce_min3A_84 [1, 2] : vector<1x224x224xf32> to vector<1xf32>
    %reduce_min3A_86 = vector.shape_cast %reduce_min3A_85 : vector<1xf32> to vector<1x1x1xf32>
    %reduce_min3A_87 = vector.extract %reduce_min3A_86[0, 0, 0] : f32 from vector<1x1x1xf32>
    %reduce_max3A = vector.shape_cast %div3A_83 : vector<224x224xf32> to vector<1x224x224xf32>
    %reduce_max3A_88 = arith.constant dense<0xFF800000> : vector<1xf32>
    %reduce_max3A_89 = vector.multi_reduction <maximumf>, %reduce_max3A, %reduce_max3A_88 [1, 2] : vector<1x224x224xf32> to vector<1xf32>
    %reduce_max3A_90 = vector.shape_cast %reduce_max3A_89 : vector<1xf32> to vector<1x1x1xf32>
    %reduce_max3A_91 = vector.extract %reduce_max3A_90[0, 0, 0] : f32 from vector<1x1x1xf32>
    %sub3A_92 = vector.broadcast %reduce_min3A_87 : f32 to vector<224x224xf32>
    %sub3A_93 = arith.subf %div3A_83, %sub3A_92 : vector<224x224xf32>
    %sub3A_94 = arith.subf %reduce_max3A_91, %reduce_min3A_87 : f32
    %div3A_95 = vector.broadcast %sub3A_94 : f32 to vector<224x224xf32>
    %div3A_96 = arith.divf %sub3A_93, %div3A_95 : vector<224x224xf32>
    %eq3A_97 = arith.constant 0.000000e+00 : f32
    %eq3A_98 = vector.broadcast %eq3A_97 : f32 to vector<224x224xf32>
    %eq3A_99 = arith.cmpf oeq, %slice3A_74, %eq3A_98 : vector<224x224xf32>
    %jit3A_100 = arith.constant -1.000000e+00 : f32
    %broadcast_in_dim3A_101 = vector.broadcast %jit3A_100 : f32 to vector<224x224xf32>
    %select_n3A_102 = arith.select %eq3A_99, %broadcast_in_dim3A_101, %div3A_96 : vector<224x224xi1>, vector<224x224xf32>
    %broadcast_in_dim3A_103 = vector.shape_cast %select_n3A_102 : vector<224x224xf32> to vector<1x224x224xf32>
    %broadcast_in_dim3A_104 = vector.shape_cast %broadcast_in_dim3A_103 : vector<1x224x224xf32> to vector<1x224x224xf32>
    %broadcast_in_dim3A_105 = vector.broadcast %broadcast_in_dim3A_104 : vector<1x224x224xf32> to vector<3x224x224xf32>
    %swap3A = arith.constant 0 : index
    %swap3A_106 = arith.constant 0 : index
    %swap3A_107 = arith.constant 0 : index
    %swap3A_108 = arith.constant 0 : index
    %swap3A_109 = vector.load %arg2[%swap3A, %swap3A_106, %swap3A_107, %swap3A_108] : memref<4x3x224x224xf32, #tpu.memory_space<vmem>>, vector<1x3x224x224xf32>
    %swap3A_110 = vector.shape_cast %swap3A_109 : vector<1x3x224x224xf32> to vector<3x224x224xf32>
    %swap3A_111 = vector.shape_cast %broadcast_in_dim3A_105 : vector<3x224x224xf32> to vector<1x3x224x224xf32>
    tpu.vector_store %arg2[%swap3A, %swap3A_106, %swap3A_107, %swap3A_108], %swap3A_111 {strides = array<i32>} : memref<4x3x224x224xf32, #tpu.memory_space<vmem>>, vector<1x3x224x224xf32>,
    %get3A_112 = arith.constant 1 : index
    %get3A_113 = arith.constant 0 : index
    %get3A_114 = arith.constant 0 : index
    %get3A_115 = vector.load %arg1[%get3A_112, %get3A_113, %get3A_114] : memref<4x232x256xf32, #tpu.memory_space<vmem>>, vector<1x232x256xf32>
    %get3A_116 = vector.shape_cast %get3A_115 : vector<1x232x256xf32> to vector<232x256xf32>
    %broadcast_in_dim3A_117 = arith.constant 0.000000e+00 : f32
    %broadcast_in_dim3A_118 = vector.broadcast %broadcast_in_dim3A_117 : f32 to vector<1x256xf32>
    %broadcast_in_dim3A_119 = arith.constant 0.000000e+00 : f32
    %broadcast_in_dim3A_120 = vector.broadcast %broadcast_in_dim3A_119 : f32 to vector<2x256xf32>
    %slice3A_121 = vector.extract_strided_slice %get3A_116 {offsets = [1, 0], sizes = [231, 256], strides = [1, 1]} : vector<232x256xf32> to vector<231x256xf32>
    %concatenate3A_122 = tpu.concatenate %slice3A_121, %broadcast_in_dim3A_118 in 0 : vector<231x256xf32>, vector<1x256xf32> -> vector<232x256xf32>
    %add3A_123 = arith.addf %get3A_116, %concatenate3A_122 : vector<232x256xf32>
    %slice3A_124 = vector.extract_strided_slice %get3A_116 {offsets = [2, 0], sizes = [230, 256], strides = [1, 1]} : vector<232x256xf32> to vector<230x256xf32>
    %concatenate3A_125 = tpu.concatenate %slice3A_124, %broadcast_in_dim3A_120 in 0 : vector<230x256xf32>, vector<2x256xf32> -> vector<232x256xf32>
    %add3A_126 = arith.addf %add3A_123, %concatenate3A_125 : vector<232x256xf32>
    %slice3A_127 = vector.extract_strided_slice %get3A_116 {offsets = [0, 0], sizes = [231, 256], strides = [1, 1]} : vector<232x256xf32> to vector<231x256xf32>
    %concatenate3A_128 = tpu.concatenate %broadcast_in_dim3A_118, %slice3A_127 in 0 : vector<1x256xf32>, vector<231x256xf32> -> vector<232x256xf32>
    %add3A_129 = arith.addf %add3A_126, %concatenate3A_128 : vector<232x256xf32>
    %slice3A_130 = vector.extract_strided_slice %get3A_116 {offsets = [0, 0], sizes = [230, 256], strides = [1, 1]} : vector<232x256xf32> to vector<230x256xf32>
    %concatenate3A_131 = tpu.concatenate %broadcast_in_dim3A_120, %slice3A_130 in 0 : vector<2x256xf32>, vector<230x256xf32> -> vector<232x256xf32>
    %add3A_132 = arith.addf %add3A_129, %concatenate3A_131 : vector<232x256xf32>
    %broadcast_in_dim3A_133 = arith.constant 0.000000e+00 : f32
    %broadcast_in_dim3A_134 = vector.broadcast %broadcast_in_dim3A_133 : f32 to vector<232x1xf32>
    %broadcast_in_dim3A_135 = arith.constant 0.000000e+00 : f32
    %broadcast_in_dim3A_136 = vector.broadcast %broadcast_in_dim3A_135 : f32 to vector<232x2xf32>
    %slice3A_137 = vector.extract_strided_slice %add3A_132 {offsets = [0, 1], sizes = [232, 255], strides = [1, 1]} : vector<232x256xf32> to vector<232x255xf32>
    %concatenate3A_138 = tpu.concatenate %slice3A_137, %broadcast_in_dim3A_134 in 1 : vector<232x255xf32>, vector<232x1xf32> -> vector<232x256xf32>
    %add3A_139 = arith.addf %add3A_132, %concatenate3A_138 : vector<232x256xf32>
    %slice3A_140 = vector.extract_strided_slice %add3A_132 {offsets = [0, 2], sizes = [232, 254], strides = [1, 1]} : vector<232x256xf32> to vector<232x254xf32>
    %concatenate3A_141 = tpu.concatenate %slice3A_140, %broadcast_in_dim3A_136 in 1 : vector<232x254xf32>, vector<232x2xf32> -> vector<232x256xf32>
    %add3A_142 = arith.addf %add3A_139, %concatenate3A_141 : vector<232x256xf32>
    %slice3A_143 = vector.extract_strided_slice %add3A_132 {offsets = [0, 0], sizes = [232, 255], strides = [1, 1]} : vector<232x256xf32> to vector<232x255xf32>
    %concatenate3A_144 = tpu.concatenate %broadcast_in_dim3A_134, %slice3A_143 in 1 : vector<232x1xf32>, vector<232x255xf32> -> vector<232x256xf32>
    %add3A_145 = arith.addf %add3A_142, %concatenate3A_144 : vector<232x256xf32>
    %slice3A_146 = vector.extract_strided_slice %add3A_132 {offsets = [0, 0], sizes = [232, 254], strides = [1, 1]} : vector<232x256xf32> to vector<232x254xf32>
    %concatenate3A_147 = tpu.concatenate %broadcast_in_dim3A_136, %slice3A_146 in 1 : vector<232x2xf32>, vector<232x254xf32> -> vector<232x256xf32>
    %add3A_148 = arith.addf %add3A_145, %concatenate3A_147 : vector<232x256xf32>
    %iota3A_149 = tpu.iota {dimensions = array<i32: 0>} : vector<232x256xi32>
    %iota3A_150 = tpu.iota {dimensions = array<i32: 1>} : vector<232x256xi32>
    %slice3A_151 = vector.extract_strided_slice %add3A_148 {offsets = [1, 0], sizes = [231, 256], strides = [1, 1]} : vector<232x256xf32> to vector<231x256xf32>
    %concatenate3A_152 = tpu.concatenate %slice3A_151, %broadcast_in_dim3A_118 in 0 : vector<231x256xf32>, vector<1x256xf32> -> vector<232x256xf32>
    %eq3A_153 = arith.constant 0 : i32
    %eq3A_154 = vector.broadcast %eq3A_153 : i32 to vector<232x256xi32>
    %eq3A_155 = arith.cmpi eq, %iota3A_149, %eq3A_154 : vector<232x256xi32>
    %slice3A_156 = vector.extract_strided_slice %add3A_148 {offsets = [0, 0], sizes = [1, 256], strides = [1, 1]} : vector<232x256xf32> to vector<1x256xf32>
    %jit3A_157 = arith.constant 0.000000e+00 : f32
    %broadcast_in_dim3A_158 = vector.shape_cast %slice3A_156 : vector<1x256xf32> to vector<1x256xf32>
    %broadcast_in_dim3A_159 = vector.broadcast %broadcast_in_dim3A_158 : vector<1x256xf32> to vector<232x256xf32>
    %broadcast_in_dim3A_160 = vector.broadcast %jit3A_157 : f32 to vector<232x256xf32>
    %select_n3A_161 = arith.select %eq3A_155, %broadcast_in_dim3A_159, %broadcast_in_dim3A_160 : vector<232x256xi1>, vector<232x256xf32>
    %add3A_162 = arith.addf %concatenate3A_152, %select_n3A_161 : vector<232x256xf32>
    %eq3A_163 = arith.constant 223 : i32
    %eq3A_164 = vector.broadcast %eq3A_163 : i32 to vector<232x256xi32>
    %eq3A_165 = arith.cmpi eq, %iota3A_149, %eq3A_164 : vector<232x256xi32>
    %slice3A_166 = vector.extract_strided_slice %add3A_148 {offsets = [225, 0], sizes = [1, 256], strides = [1, 1]} : vector<232x256xf32> to vector<1x256xf32>
    %jit3A_167 = arith.constant 0.000000e+00 : f32
    %broadcast_in_dim3A_168 = vector.shape_cast %slice3A_166 : vector<1x256xf32> to vector<1x256xf32>
    %broadcast_in_dim3A_169 = vector.broadcast %broadcast_in_dim3A_168 : vector<1x256xf32> to vector<232x256xf32>
    %broadcast_in_dim3A_170 = vector.broadcast %jit3A_167 : f32 to vector<232x256xf32>
    %select_n3A_171 = arith.select %eq3A_165, %broadcast_in_dim3A_169, %broadcast_in_dim3A_170 : vector<232x256xi1>, vector<232x256xf32>
    %add3A_172 = arith.addf %add3A_162, %select_n3A_171 : vector<232x256xf32>
    %slice3A_173 = vector.extract_strided_slice %add3A_172 {offsets = [0, 1], sizes = [232, 255], strides = [1, 1]} : vector<232x256xf32> to vector<232x255xf32>
    %concatenate3A_174 = tpu.concatenate %slice3A_173, %broadcast_in_dim3A_134 in 1 : vector<232x255xf32>, vector<232x1xf32> -> vector<232x256xf32>
    %eq3A_175 = arith.constant 0 : i32
    %eq3A_176 = vector.broadcast %eq3A_175 : i32 to vector<232x256xi32>
    %eq3A_177 = arith.cmpi eq, %iota3A_150, %eq3A_176 : vector<232x256xi32>
    %slice3A_178 = vector.extract_strided_slice %add3A_172 {offsets = [0, 0], sizes = [232, 1], strides = [1, 1]} : vector<232x256xf32> to vector<232x1xf32>
    %jit3A_179 = arith.constant 0.000000e+00 : f32
    %broadcast_in_dim3A_180 = vector.shape_cast %slice3A_178 : vector<232x1xf32> to vector<232x1xf32>
    %broadcast_in_dim3A_181 = vector.broadcast %broadcast_in_dim3A_180 : vector<232x1xf32> to vector<232x256xf32>
    %broadcast_in_dim3A_182 = vector.broadcast %jit3A_179 : f32 to vector<232x256xf32>
    %select_n3A_183 = arith.select %eq3A_177, %broadcast_in_dim3A_181, %broadcast_in_dim3A_182 : vector<232x256xi1>, vector<232x256xf32>
    %add3A_184 = arith.addf %concatenate3A_174, %select_n3A_183 : vector<232x256xf32>
    %eq3A_185 = arith.constant 223 : i32
    %eq3A_186 = vector.broadcast %eq3A_185 : i32 to vector<232x256xi32>
    %eq3A_187 = arith.cmpi eq, %iota3A_150, %eq3A_186 : vector<232x256xi32>
    %slice3A_188 = vector.extract_strided_slice %add3A_172 {offsets = [0, 225], sizes = [232, 1], strides = [1, 1]} : vector<232x256xf32> to vector<232x1xf32>
    %jit3A_189 = arith.constant 0.000000e+00 : f32
    %broadcast_in_dim3A_190 = vector.shape_cast %slice3A_188 : vector<232x1xf32> to vector<232x1xf32>
    %broadcast_in_dim3A_191 = vector.broadcast %broadcast_in_dim3A_190 : vector<232x1xf32> to vector<232x256xf32>
    %broadcast_in_dim3A_192 = vector.broadcast %jit3A_189 : f32 to vector<232x256xf32>
    %select_n3A_193 = arith.select %eq3A_187, %broadcast_in_dim3A_191, %broadcast_in_dim3A_192 : vector<232x256xi1>, vector<232x256xf32>
    %add3A_194 = arith.addf %add3A_184, %select_n3A_193 : vector<232x256xf32>
    %slice3A_195 = vector.extract_strided_slice %add3A_194 {offsets = [0, 0], sizes = [224, 224], strides = [1, 1]} : vector<232x256xf32> to vector<224x224xf32>
    %logistic3A_196 = arith.negf %slice3A_195 : vector<224x224xf32>
    %logistic3A_197 = math.exp %logistic3A_196 : vector<224x224xf32>
    %logistic3A_198 = arith.constant 1.000000e+00 : f32
    %logistic3A_199 = vector.broadcast %logistic3A_198 : f32 to vector<224x224xf32>
    %logistic3A_200 = arith.addf %logistic3A_199, %logistic3A_197 : vector<224x224xf32>
    %logistic3A_201 = arith.divf %logistic3A_199, %logistic3A_200 : vector<224x224xf32>
    %sub3A_202 = arith.constant 4.850000e-01 : f32
    %sub3A_203 = vector.broadcast %sub3A_202 : f32 to vector<224x224xf32>
    %sub3A_204 = arith.subf %logistic3A_201, %sub3A_203 : vector<224x224xf32>
    %div3A_205 = arith.constant 2.290000e-01 : f32
    %div3A_206 = vector.broadcast %div3A_205 : f32 to vector<224x224xf32>
    %div3A_207 = arith.divf %sub3A_204, %div3A_206 : vector<224x224xf32>
    %reduce_min3A_208 = vector.shape_cast %div3A_207 : vector<224x224xf32> to vector<1x224x224xf32>
    %reduce_min3A_209 = arith.constant dense<0x7F800000> : vector<1xf32>
    %reduce_min3A_210 = vector.multi_reduction <minimumf>, %reduce_min3A_208, %reduce_min3A_209 [1, 2] : vector<1x224x224xf32> to vector<1xf32>
    %reduce_min3A_211 = vector.shape_cast %reduce_min3A_210 : vector<1xf32> to vector<1x1x1xf32>
    %reduce_min3A_212 = vector.extract %reduce_min3A_211[0, 0, 0] : f32 from vector<1x1x1xf32>
    %reduce_max3A_213 = vector.shape_cast %div3A_207 : vector<224x224xf32> to vector<1x224x224xf32>
    %reduce_max3A_214 = arith.constant dense<0xFF800000> : vector<1xf32>
    %reduce_max3A_215 = vector.multi_reduction <maximumf>, %reduce_max3A_213, %reduce_max3A_214 [1, 2] : vector<1x224x224xf32> to vector<1xf32>
    %reduce_max3A_216 = vector.shape_cast %reduce_max3A_215 : vector<1xf32> to vector<1x1x1xf32>
    %reduce_max3A_217 = vector.extract %reduce_max3A_216[0, 0, 0] : f32 from vector<1x1x1xf32>
    %sub3A_218 = vector.broadcast %reduce_min3A_212 : f32 to vector<224x224xf32>
    %sub3A_219 = arith.subf %div3A_207, %sub3A_218 : vector<224x224xf32>
    %sub3A_220 = arith.subf %reduce_max3A_217, %reduce_min3A_212 : f32
    %div3A_221 = vector.broadcast %sub3A_220 : f32 to vector<224x224xf32>
    %div3A_222 = arith.divf %sub3A_219, %div3A_221 : vector<224x224xf32>
    %eq3A_223 = arith.constant 0.000000e+00 : f32
    %eq3A_224 = vector.broadcast %eq3A_223 : f32 to vector<224x224xf32>
    %eq3A_225 = arith.cmpf oeq, %slice3A_195, %eq3A_224 : vector<224x224xf32>
    %jit3A_226 = arith.constant -1.000000e+00 : f32
    %broadcast_in_dim3A_227 = vector.broadcast %jit3A_226 : f32 to vector<224x224xf32>
    %select_n3A_228 = arith.select %eq3A_225, %broadcast_in_dim3A_227, %div3A_222 : vector<224x224xi1>, vector<224x224xf32>
    %broadcast_in_dim3A_229 = vector.shape_cast %select_n3A_228 : vector<224x224xf32> to vector<1x224x224xf32>
    %broadcast_in_dim3A_230 = vector.shape_cast %broadcast_in_dim3A_229 : vector<1x224x224xf32> to vector<1x224x224xf32>
    %broadcast_in_dim3A_231 = vector.broadcast %broadcast_in_dim3A_230 : vector<1x224x224xf32> to vector<3x224x224xf32>
    %swap3A_232 = arith.constant 1 : index
    %swap3A_233 = arith.constant 0 : index
    %swap3A_234 = arith.constant 0 : index
    %swap3A_235 = arith.constant 0 : index
    %swap3A_236 = vector.load %arg2[%swap3A_232, %swap3A_233, %swap3A_234, %swap3A_235] : memref<4x3x224x224xf32, #tpu.memory_space<vmem>>, vector<1x3x224x224xf32>
    %swap3A_237 = vector.shape_cast %swap3A_236 : vector<1x3x224x224xf32> to vector<3x224x224xf32>
    %swap3A_238 = vector.shape_cast %broadcast_in_dim3A_231 : vector<3x224x224xf32> to vector<1x3x224x224xf32>
    tpu.vector_store %arg2[%swap3A_232, %swap3A_233, %swap3A_234, %swap3A_235], %swap3A_238 {strides = array<i32>} : memref<4x3x224x224xf32, #tpu.memory_space<vmem>>, vector<1x3x224x224xf32>,
    %get3A_239 = arith.constant 2 : index
    %get3A_240 = arith.constant 0 : index
    %get3A_241 = arith.constant 0 : index
    %get3A_242 = vector.load %arg1[%get3A_239, %get3A_240, %get3A_241] : memref<4x232x256xf32, #tpu.memory_space<vmem>>, vector<1x232x256xf32>
    %get3A_243 = vector.shape_cast %get3A_242 : vector<1x232x256xf32> to vector<232x256xf32>
    %broadcast_in_dim3A_244 = arith.constant 0.000000e+00 : f32
    %broadcast_in_dim3A_245 = vector.broadcast %broadcast_in_dim3A_244 : f32 to vector<1x256xf32>
    %broadcast_in_dim3A_246 = arith.constant 0.000000e+00 : f32
    %broadcast_in_dim3A_247 = vector.broadcast %broadcast_in_dim3A_246 : f32 to vector<2x256xf32>
    %slice3A_248 = vector.extract_strided_slice %get3A_243 {offsets = [1, 0], sizes = [231, 256], strides = [1, 1]} : vector<232x256xf32> to vector<231x256xf32>
    %concatenate3A_249 = tpu.concatenate %slice3A_248, %broadcast_in_dim3A_245 in 0 : vector<231x256xf32>, vector<1x256xf32> -> vector<232x256xf32>
    %add3A_250 = arith.addf %get3A_243, %concatenate3A_249 : vector<232x256xf32>
    %slice3A_251 = vector.extract_strided_slice %get3A_243 {offsets = [2, 0], sizes = [230, 256], strides = [1, 1]} : vector<232x256xf32> to vector<230x256xf32>
    %concatenate3A_252 = tpu.concatenate %slice3A_251, %broadcast_in_dim3A_247 in 0 : vector<230x256xf32>, vector<2x256xf32> -> vector<232x256xf32>
    %add3A_253 = arith.addf %add3A_250, %concatenate3A_252 : vector<232x256xf32>
    %slice3A_254 = vector.extract_strided_slice %get3A_243 {offsets = [0, 0], sizes = [231, 256], strides = [1, 1]} : vector<232x256xf32> to vector<231x256xf32>
    %concatenate3A_255 = tpu.concatenate %broadcast_in_dim3A_245, %slice3A_254 in 0 : vector<1x256xf32>, vector<231x256xf32> -> vector<232x256xf32>
    %add3A_256 = arith.addf %add3A_253, %concatenate3A_255 : vector<232x256xf32>
    %slice3A_257 = vector.extract_strided_slice %get3A_243 {offsets = [0, 0], sizes = [230, 256], strides = [1, 1]} : vector<232x256xf32> to vector<230x256xf32>
    %concatenate3A_258 = tpu.concatenate %broadcast_in_dim3A_247, %slice3A_257 in 0 : vector<2x256xf32>, vector<230x256xf32> -> vector<232x256xf32>
    %add3A_259 = arith.addf %add3A_256, %concatenate3A_258 : vector<232x256xf32>
    %broadcast_in_dim3A_260 = arith.constant 0.000000e+00 : f32
    %broadcast_in_dim3A_261 = vector.broadcast %broadcast_in_dim3A_260 : f32 to vector<232x1xf32>
    %broadcast_in_dim3A_262 = arith.constant 0.000000e+00 : f32
    %broadcast_in_dim3A_263 = vector.broadcast %broadcast_in_dim3A_262 : f32 to vector<232x2xf32>
    %slice3A_264 = vector.extract_strided_slice %add3A_259 {offsets = [0, 1], sizes = [232, 255], strides = [1, 1]} : vector<232x256xf32> to vector<232x255xf32>
    %concatenate3A_265 = tpu.concatenate %slice3A_264, %broadcast_in_dim3A_261 in 1 : vector<232x255xf32>, vector<232x1xf32> -> vector<232x256xf32>
    %add3A_266 = arith.addf %add3A_259, %concatenate3A_265 : vector<232x256xf32>
    %slice3A_267 = vector.extract_strided_slice %add3A_259 {offsets = [0, 2], sizes = [232, 254], strides = [1, 1]} : vector<232x256xf32> to vector<232x254xf32>
    %concatenate3A_268 = tpu.concatenate %slice3A_267, %broadcast_in_dim3A_263 in 1 : vector<232x254xf32>, vector<232x2xf32> -> vector<232x256xf32>
    %add3A_269 = arith.addf %add3A_266, %concatenate3A_268 : vector<232x256xf32>
    %slice3A_270 = vector.extract_strided_slice %add3A_259 {offsets = [0, 0], sizes = [232, 255], strides = [1, 1]} : vector<232x256xf32> to vector<232x255xf32>
    %concatenate3A_271 = tpu.concatenate %broadcast_in_dim3A_261, %slice3A_270 in 1 : vector<232x1xf32>, vector<232x255xf32> -> vector<232x256xf32>
    %add3A_272 = arith.addf %add3A_269, %concatenate3A_271 : vector<232x256xf32>
    %slice3A_273 = vector.extract_strided_slice %add3A_259 {offsets = [0, 0], sizes = [232, 254], strides = [1, 1]} : vector<232x256xf32> to vector<232x254xf32>
    %concatenate3A_274 = tpu.concatenate %broadcast_in_dim3A_263, %slice3A_273 in 1 : vector<232x2xf32>, vector<232x254xf32> -> vector<232x256xf32>
    %add3A_275 = arith.addf %add3A_272, %concatenate3A_274 : vector<232x256xf32>
    %iota3A_276 = tpu.iota {dimensions = array<i32: 0>} : vector<232x256xi32>
    %iota3A_277 = tpu.iota {dimensions = array<i32: 1>} : vector<232x256xi32>
    %slice3A_278 = vector.extract_strided_slice %add3A_275 {offsets = [1, 0], sizes = [231, 256], strides = [1, 1]} : vector<232x256xf32> to vector<231x256xf32>
    %concatenate3A_279 = tpu.concatenate %slice3A_278, %broadcast_in_dim3A_245 in 0 : vector<231x256xf32>, vector<1x256xf32> -> vector<232x256xf32>
    %eq3A_280 = arith.constant 0 : i32
    %eq3A_281 = vector.broadcast %eq3A_280 : i32 to vector<232x256xi32>
    %eq3A_282 = arith.cmpi eq, %iota3A_276, %eq3A_281 : vector<232x256xi32>
    %slice3A_283 = vector.extract_strided_slice %add3A_275 {offsets = [0, 0], sizes = [1, 256], strides = [1, 1]} : vector<232x256xf32> to vector<1x256xf32>
    %jit3A_284 = arith.constant 0.000000e+00 : f32
    %broadcast_in_dim3A_285 = vector.shape_cast %slice3A_283 : vector<1x256xf32> to vector<1x256xf32>
    %broadcast_in_dim3A_286 = vector.broadcast %broadcast_in_dim3A_285 : vector<1x256xf32> to vector<232x256xf32>
    %broadcast_in_dim3A_287 = vector.broadcast %jit3A_284 : f32 to vector<232x256xf32>
    %select_n3A_288 = arith.select %eq3A_282, %broadcast_in_dim3A_286, %broadcast_in_dim3A_287 : vector<232x256xi1>, vector<232x256xf32>
    %add3A_289 = arith.addf %concatenate3A_279, %select_n3A_288 : vector<232x256xf32>
    %eq3A_290 = arith.constant 223 : i32
    %eq3A_291 = vector.broadcast %eq3A_290 : i32 to vector<232x256xi32>
    %eq3A_292 = arith.cmpi eq, %iota3A_276, %eq3A_291 : vector<232x256xi32>
    %slice3A_293 = vector.extract_strided_slice %add3A_275 {offsets = [225, 0], sizes = [1, 256], strides = [1, 1]} : vector<232x256xf32> to vector<1x256xf32>
    %jit3A_294 = arith.constant 0.000000e+00 : f32
    %broadcast_in_dim3A_295 = vector.shape_cast %slice3A_293 : vector<1x256xf32> to vector<1x256xf32>
    %broadcast_in_dim3A_296 = vector.broadcast %broadcast_in_dim3A_295 : vector<1x256xf32> to vector<232x256xf32>
    %broadcast_in_dim3A_297 = vector.broadcast %jit3A_294 : f32 to vector<232x256xf32>
    %select_n3A_298 = arith.select %eq3A_292, %broadcast_in_dim3A_296, %broadcast_in_dim3A_297 : vector<232x256xi1>, vector<232x256xf32>
    %add3A_299 = arith.addf %add3A_289, %select_n3A_298 : vector<232x256xf32>
    %slice3A_300 = vector.extract_strided_slice %add3A_299 {offsets = [0, 1], sizes = [232, 255], strides = [1, 1]} : vector<232x256xf32> to vector<232x255xf32>
    %concatenate3A_301 = tpu.concatenate %slice3A_300, %broadcast_in_dim3A_261 in 1 : vector<232x255xf32>, vector<232x1xf32> -> vector<232x256xf32>
    %eq3A_302 = arith.constant 0 : i32
    %eq3A_303 = vector.broadcast %eq3A_302 : i32 to vector<232x256xi32>
    %eq3A_304 = arith.cmpi eq, %iota3A_277, %eq3A_303 : vector<232x256xi32>
    %slice3A_305 = vector.extract_strided_slice %add3A_299 {offsets = [0, 0], sizes = [232, 1], strides = [1, 1]} : vector<232x256xf32> to vector<232x1xf32>
    %jit3A_306 = arith.constant 0.000000e+00 : f32
    %broadcast_in_dim3A_307 = vector.shape_cast %slice3A_305 : vector<232x1xf32> to vector<232x1xf32>
    %broadcast_in_dim3A_308 = vector.broadcast %broadcast_in_dim3A_307 : vector<232x1xf32> to vector<232x256xf32>
    %broadcast_in_dim3A_309 = vector.broadcast %jit3A_306 : f32 to vector<232x256xf32>
    %select_n3A_310 = arith.select %eq3A_304, %broadcast_in_dim3A_308, %broadcast_in_dim3A_309 : vector<232x256xi1>, vector<232x256xf32>
    %add3A_311 = arith.addf %concatenate3A_301, %select_n3A_310 : vector<232x256xf32>
    %eq3A_312 = arith.constant 223 : i32
    %eq3A_313 = vector.broadcast %eq3A_312 : i32 to vector<232x256xi32>
    %eq3A_314 = arith.cmpi eq, %iota3A_277, %eq3A_313 : vector<232x256xi32>
    %slice3A_315 = vector.extract_strided_slice %add3A_299 {offsets = [0, 225], sizes = [232, 1], strides = [1, 1]} : vector<232x256xf32> to vector<232x1xf32>
    %jit3A_316 = arith.constant 0.000000e+00 : f32
    %broadcast_in_dim3A_317 = vector.shape_cast %slice3A_315 : vector<232x1xf32> to vector<232x1xf32>
    %broadcast_in_dim3A_318 = vector.broadcast %broadcast_in_dim3A_317 : vector<232x1xf32> to vector<232x256xf32>
    %broadcast_in_dim3A_319 = vector.broadcast %jit3A_316 : f32 to vector<232x256xf32>
    %select_n3A_320 = arith.select %eq3A_314, %broadcast_in_dim3A_318, %broadcast_in_dim3A_319 : vector<232x256xi1>, vector<232x256xf32>
    %add3A_321 = arith.addf %add3A_311, %select_n3A_320 : vector<232x256xf32>
    %slice3A_322 = vector.extract_strided_slice %add3A_321 {offsets = [0, 0], sizes = [224, 224], strides = [1, 1]} : vector<232x256xf32> to vector<224x224xf32>
    %logistic3A_323 = arith.negf %slice3A_322 : vector<224x224xf32>
    %logistic3A_324 = math.exp %logistic3A_323 : vector<224x224xf32>
    %logistic3A_325 = arith.constant 1.000000e+00 : f32
    %logistic3A_326 = vector.broadcast %logistic3A_325 : f32 to vector<224x224xf32>
    %logistic3A_327 = arith.addf %logistic3A_326, %logistic3A_324 : vector<224x224xf32>
    %logistic3A_328 = arith.divf %logistic3A_326, %logistic3A_327 : vector<224x224xf32>
    %sub3A_329 = arith.constant 4.850000e-01 : f32
    %sub3A_330 = vector.broadcast %sub3A_329 : f32 to vector<224x224xf32>
    %sub3A_331 = arith.subf %logistic3A_328, %sub3A_330 : vector<224x224xf32>
    %div3A_332 = arith.constant 2.290000e-01 : f32
    %div3A_333 = vector.broadcast %div3A_332 : f32 to vector<224x224xf32>
    %div3A_334 = arith.divf %sub3A_331, %div3A_333 : vector<224x224xf32>
    %reduce_min3A_335 = vector.shape_cast %div3A_334 : vector<224x224xf32> to vector<1x224x224xf32>
    %reduce_min3A_336 = arith.constant dense<0x7F800000> : vector<1xf32>
    %reduce_min3A_337 = vector.multi_reduction <minimumf>, %reduce_min3A_335, %reduce_min3A_336 [1, 2] : vector<1x224x224xf32> to vector<1xf32>
    %reduce_min3A_338 = vector.shape_cast %reduce_min3A_337 : vector<1xf32> to vector<1x1x1xf32>
    %reduce_min3A_339 = vector.extract %reduce_min3A_338[0, 0, 0] : f32 from vector<1x1x1xf32>
    %reduce_max3A_340 = vector.shape_cast %div3A_334 : vector<224x224xf32> to vector<1x224x224xf32>
    %reduce_max3A_341 = arith.constant dense<0xFF800000> : vector<1xf32>
    %reduce_max3A_342 = vector.multi_reduction <maximumf>, %reduce_max3A_340, %reduce_max3A_341 [1, 2] : vector<1x224x224xf32> to vector<1xf32>
    %reduce_max3A_343 = vector.shape_cast %reduce_max3A_342 : vector<1xf32> to vector<1x1x1xf32>
    %reduce_max3A_344 = vector.extract %reduce_max3A_343[0, 0, 0] : f32 from vector<1x1x1xf32>
    %sub3A_345 = vector.broadcast %reduce_min3A_339 : f32 to vector<224x224xf32>
    %sub3A_346 = arith.subf %div3A_334, %sub3A_345 : vector<224x224xf32>
    %sub3A_347 = arith.subf %reduce_max3A_344, %reduce_min3A_339 : f32
    %div3A_348 = vector.broadcast %sub3A_347 : f32 to vector<224x224xf32>
    %div3A_349 = arith.divf %sub3A_346, %div3A_348 : vector<224x224xf32>
    %eq3A_350 = arith.constant 0.000000e+00 : f32
    %eq3A_351 = vector.broadcast %eq3A_350 : f32 to vector<224x224xf32>
    %eq3A_352 = arith.cmpf oeq, %slice3A_322, %eq3A_351 : vector<224x224xf32>
    %jit3A_353 = arith.constant -1.000000e+00 : f32
    %broadcast_in_dim3A_354 = vector.broadcast %jit3A_353 : f32 to vector<224x224xf32>
    %select_n3A_355 = arith.select %eq3A_352, %broadcast_in_dim3A_354, %div3A_349 : vector<224x224xi1>, vector<224x224xf32>
    %broadcast_in_dim3A_356 = vector.shape_cast %select_n3A_355 : vector<224x224xf32> to vector<1x224x224xf32>
    %broadcast_in_dim3A_357 = vector.shape_cast %broadcast_in_dim3A_356 : vector<1x224x224xf32> to vector<1x224x224xf32>
    %broadcast_in_dim3A_358 = vector.broadcast %broadcast_in_dim3A_357 : vector<1x224x224xf32> to vector<3x224x224xf32>
    %swap3A_359 = arith.constant 2 : index
    %swap3A_360 = arith.constant 0 : index
    %swap3A_361 = arith.constant 0 : index
    %swap3A_362 = arith.constant 0 : index
    %swap3A_363 = vector.load %arg2[%swap3A_359, %swap3A_360, %swap3A_361, %swap3A_362] : memref<4x3x224x224xf32, #tpu.memory_space<vmem>>, vector<1x3x224x224xf32>
    %swap3A_364 = vector.shape_cast %swap3A_363 : vector<1x3x224x224xf32> to vector<3x224x224xf32>
    %swap3A_365 = vector.shape_cast %broadcast_in_dim3A_358 : vector<3x224x224xf32> to vector<1x3x224x224xf32>
    tpu.vector_store %arg2[%swap3A_359, %swap3A_360, %swap3A_361, %swap3A_362], %swap3A_365 {strides = array<i32>} : memref<4x3x224x224xf32, #tpu.memory_space<vmem>>, vector<1x3x224x224xf32>,
    %get3A_366 = arith.constant 3 : index
    %get3A_367 = arith.constant 0 : index
    %get3A_368 = arith.constant 0 : index
    %get3A_369 = vector.load %arg1[%get3A_366, %get3A_367, %get3A_368] : memref<4x232x256xf32, #tpu.memory_space<vmem>>, vector<1x232x256xf32>
    %get3A_370 = vector.shape_cast %get3A_369 : vector<1x232x256xf32> to vector<232x256xf32>
    %broadcast_in_dim3A_371 = arith.constant 0.000000e+00 : f32
    %broadcast_in_dim3A_372 = vector.broadcast %broadcast_in_dim3A_371 : f32 to vector<1x256xf32>
    %broadcast_in_dim3A_373 = arith.constant 0.000000e+00 : f32
    %broadcast_in_dim3A_374 = vector.broadcast %broadcast_in_dim3A_373 : f32 to vector<2x256xf32>
    %slice3A_375 = vector.extract_strided_slice %get3A_370 {offsets = [1, 0], sizes = [231, 256], strides = [1, 1]} : vector<232x256xf32> to vector<231x256xf32>
    %concatenate3A_376 = tpu.concatenate %slice3A_375, %broadcast_in_dim3A_372 in 0 : vector<231x256xf32>, vector<1x256xf32> -> vector<232x256xf32>
    %add3A_377 = arith.addf %get3A_370, %concatenate3A_376 : vector<232x256xf32>
    %slice3A_378 = vector.extract_strided_slice %get3A_370 {offsets = [2, 0], sizes = [230, 256], strides = [1, 1]} : vector<232x256xf32> to vector<230x256xf32>
    %concatenate3A_379 = tpu.concatenate %slice3A_378, %broadcast_in_dim3A_374 in 0 : vector<230x256xf32>, vector<2x256xf32> -> vector<232x256xf32>
    %add3A_380 = arith.addf %add3A_377, %concatenate3A_379 : vector<232x256xf32>
    %slice3A_381 = vector.extract_strided_slice %get3A_370 {offsets = [0, 0], sizes = [231, 256], strides = [1, 1]} : vector<232x256xf32> to vector<231x256xf32>
    %concatenate3A_382 = tpu.concatenate %broadcast_in_dim3A_372, %slice3A_381 in 0 : vector<1x256xf32>, vector<231x256xf32> -> vector<232x256xf32>
    %add3A_383 = arith.addf %add3A_380, %concatenate3A_382 : vector<232x256xf32>
    %slice3A_384 = vector.extract_strided_slice %get3A_370 {offsets = [0, 0], sizes = [230, 256], strides = [1, 1]} : vector<232x256xf32> to vector<230x256xf32>
    %concatenate3A_385 = tpu.concatenate %broadcast_in_dim3A_374, %slice3A_384 in 0 : vector<2x256xf32>, vector<230x256xf32> -> vector<232x256xf32>
    %add3A_386 = arith.addf %add3A_383, %concatenate3A_385 : vector<232x256xf32>
    %broadcast_in_dim3A_387 = arith.constant 0.000000e+00 : f32
    %broadcast_in_dim3A_388 = vector.broadcast %broadcast_in_dim3A_387 : f32 to vector<232x1xf32>
    %broadcast_in_dim3A_389 = arith.constant 0.000000e+00 : f32
    %broadcast_in_dim3A_390 = vector.broadcast %broadcast_in_dim3A_389 : f32 to vector<232x2xf32>
    %slice3A_391 = vector.extract_strided_slice %add3A_386 {offsets = [0, 1], sizes = [232, 255], strides = [1, 1]} : vector<232x256xf32> to vector<232x255xf32>
    %concatenate3A_392 = tpu.concatenate %slice3A_391, %broadcast_in_dim3A_388 in 1 : vector<232x255xf32>, vector<232x1xf32> -> vector<232x256xf32>
    %add3A_393 = arith.addf %add3A_386, %concatenate3A_392 : vector<232x256xf32>
    %slice3A_394 = vector.extract_strided_slice %add3A_386 {offsets = [0, 2], sizes = [232, 254], strides = [1, 1]} : vector<232x256xf32> to vector<232x254xf32>
    %concatenate3A_395 = tpu.concatenate %slice3A_394, %broadcast_in_dim3A_390 in 1 : vector<232x254xf32>, vector<232x2xf32> -> vector<232x256xf32>
    %add3A_396 = arith.addf %add3A_393, %concatenate3A_395 : vector<232x256xf32>
    %slice3A_397 = vector.extract_strided_slice %add3A_386 {offsets = [0, 0], sizes = [232, 255], strides = [1, 1]} : vector<232x256xf32> to vector<232x255xf32>
    %concatenate3A_398 = tpu.concatenate %broadcast_in_dim3A_388, %slice3A_397 in 1 : vector<232x1xf32>, vector<232x255xf32> -> vector<232x256xf32>
    %add3A_399 = arith.addf %add3A_396, %concatenate3A_398 : vector<232x256xf32>
    %slice3A_400 = vector.extract_strided_slice %add3A_386 {offsets = [0, 0], sizes = [232, 254], strides = [1, 1]} : vector<232x256xf32> to vector<232x254xf32>
    %concatenate3A_401 = tpu.concatenate %broadcast_in_dim3A_390, %slice3A_400 in 1 : vector<232x2xf32>, vector<232x254xf32> -> vector<232x256xf32>
    %add3A_402 = arith.addf %add3A_399, %concatenate3A_401 : vector<232x256xf32>
    %iota3A_403 = tpu.iota {dimensions = array<i32: 0>} : vector<232x256xi32>
    %iota3A_404 = tpu.iota {dimensions = array<i32: 1>} : vector<232x256xi32>
    %slice3A_405 = vector.extract_strided_slice %add3A_402 {offsets = [1, 0], sizes = [231, 256], strides = [1, 1]} : vector<232x256xf32> to vector<231x256xf32>
    %concatenate3A_406 = tpu.concatenate %slice3A_405, %broadcast_in_dim3A_372 in 0 : vector<231x256xf32>, vector<1x256xf32> -> vector<232x256xf32>
    %eq3A_407 = arith.constant 0 : i32
    %eq3A_408 = vector.broadcast %eq3A_407 : i32 to vector<232x256xi32>
    %eq3A_409 = arith.cmpi eq, %iota3A_403, %eq3A_408 : vector<232x256xi32>
    %slice3A_410 = vector.extract_strided_slice %add3A_402 {offsets = [0, 0], sizes = [1, 256], strides = [1, 1]} : vector<232x256xf32> to vector<1x256xf32>
    %jit3A_411 = arith.constant 0.000000e+00 : f32
    %broadcast_in_dim3A_412 = vector.shape_cast %slice3A_410 : vector<1x256xf32> to vector<1x256xf32>
    %broadcast_in_dim3A_413 = vector.broadcast %broadcast_in_dim3A_412 : vector<1x256xf32> to vector<232x256xf32>
    %broadcast_in_dim3A_414 = vector.broadcast %jit3A_411 : f32 to vector<232x256xf32>
    %select_n3A_415 = arith.select %eq3A_409, %broadcast_in_dim3A_413, %broadcast_in_dim3A_414 : vector<232x256xi1>, vector<232x256xf32>
    %add3A_416 = arith.addf %concatenate3A_406, %select_n3A_415 : vector<232x256xf32>
    %eq3A_417 = arith.constant 223 : i32
    %eq3A_418 = vector.broadcast %eq3A_417 : i32 to vector<232x256xi32>
    %eq3A_419 = arith.cmpi eq, %iota3A_403, %eq3A_418 : vector<232x256xi32>
    %slice3A_420 = vector.extract_strided_slice %add3A_402 {offsets = [225, 0], sizes = [1, 256], strides = [1, 1]} : vector<232x256xf32> to vector<1x256xf32>
    %jit3A_421 = arith.constant 0.000000e+00 : f32
    %broadcast_in_dim3A_422 = vector.shape_cast %slice3A_420 : vector<1x256xf32> to vector<1x256xf32>
    %broadcast_in_dim3A_423 = vector.broadcast %broadcast_in_dim3A_422 : vector<1x256xf32> to vector<232x256xf32>
    %broadcast_in_dim3A_424 = vector.broadcast %jit3A_421 : f32 to vector<232x256xf32>
    %select_n3A_425 = arith.select %eq3A_419, %broadcast_in_dim3A_423, %broadcast_in_dim3A_424 : vector<232x256xi1>, vector<232x256xf32>
    %add3A_426 = arith.addf %add3A_416, %select_n3A_425 : vector<232x256xf32>
    %slice3A_427 = vector.extract_strided_slice %add3A_426 {offsets = [0, 1], sizes = [232, 255], strides = [1, 1]} : vector<232x256xf32> to vector<232x255xf32>
    %concatenate3A_428 = tpu.concatenate %slice3A_427, %broadcast_in_dim3A_388 in 1 : vector<232x255xf32>, vector<232x1xf32> -> vector<232x256xf32>
    %eq3A_429 = arith.constant 0 : i32
    %eq3A_430 = vector.broadcast %eq3A_429 : i32 to vector<232x256xi32>
    %eq3A_431 = arith.cmpi eq, %iota3A_404, %eq3A_430 : vector<232x256xi32>
    %slice3A_432 = vector.extract_strided_slice %add3A_426 {offsets = [0, 0], sizes = [232, 1], strides = [1, 1]} : vector<232x256xf32> to vector<232x1xf32>
    %jit3A_433 = arith.constant 0.000000e+00 : f32
    %broadcast_in_dim3A_434 = vector.shape_cast %slice3A_432 : vector<232x1xf32> to vector<232x1xf32>
    %broadcast_in_dim3A_435 = vector.broadcast %broadcast_in_dim3A_434 : vector<232x1xf32> to vector<232x256xf32>
    %broadcast_in_dim3A_436 = vector.broadcast %jit3A_433 : f32 to vector<232x256xf32>
    %select_n3A_437 = arith.select %eq3A_431, %broadcast_in_dim3A_435, %broadcast_in_dim3A_436 : vector<232x256xi1>, vector<232x256xf32>
    %add3A_438 = arith.addf %concatenate3A_428, %select_n3A_437 : vector<232x256xf32>
    %eq3A_439 = arith.constant 223 : i32
    %eq3A_440 = vector.broadcast %eq3A_439 : i32 to vector<232x256xi32>
    %eq3A_441 = arith.cmpi eq, %iota3A_404, %eq3A_440 : vector<232x256xi32>
    %slice3A_442 = vector.extract_strided_slice %add3A_426 {offsets = [0, 225], sizes = [232, 1], strides = [1, 1]} : vector<232x256xf32> to vector<232x1xf32>
    %jit3A_443 = arith.constant 0.000000e+00 : f32
    %broadcast_in_dim3A_444 = vector.shape_cast %slice3A_442 : vector<232x1xf32> to vector<232x1xf32>
    %broadcast_in_dim3A_445 = vector.broadcast %broadcast_in_dim3A_444 : vector<232x1xf32> to vector<232x256xf32>
    %broadcast_in_dim3A_446 = vector.broadcast %jit3A_443 : f32 to vector<232x256xf32>
    %select_n3A_447 = arith.select %eq3A_441, %broadcast_in_dim3A_445, %broadcast_in_dim3A_446 : vector<232x256xi1>, vector<232x256xf32>
    %add3A_448 = arith.addf %add3A_438, %select_n3A_447 : vector<232x256xf32>
    %slice3A_449 = vector.extract_strided_slice %add3A_448 {offsets = [0, 0], sizes = [224, 224], strides = [1, 1]} : vector<232x256xf32> to vector<224x224xf32>
    %logistic3A_450 = arith.negf %slice3A_449 : vector<224x224xf32>
    %logistic3A_451 = math.exp %logistic3A_450 : vector<224x224xf32>
    %logistic3A_452 = arith.constant 1.000000e+00 : f32
    %logistic3A_453 = vector.broadcast %logistic3A_452 : f32 to vector<224x224xf32>
    %logistic3A_454 = arith.addf %logistic3A_453, %logistic3A_451 : vector<224x224xf32>
    %logistic3A_455 = arith.divf %logistic3A_453, %logistic3A_454 : vector<224x224xf32>
    %sub3A_456 = arith.constant 4.850000e-01 : f32
    %sub3A_457 = vector.broadcast %sub3A_456 : f32 to vector<224x224xf32>
    %sub3A_458 = arith.subf %logistic3A_455, %sub3A_457 : vector<224x224xf32>
    %div3A_459 = arith.constant 2.290000e-01 : f32
    %div3A_460 = vector.broadcast %div3A_459 : f32 to vector<224x224xf32>
    %div3A_461 = arith.divf %sub3A_458, %div3A_460 : vector<224x224xf32>
    %reduce_min3A_462 = vector.shape_cast %div3A_461 : vector<224x224xf32> to vector<1x224x224xf32>
    %reduce_min3A_463 = arith.constant dense<0x7F800000> : vector<1xf32>
    %reduce_min3A_464 = vector.multi_reduction <minimumf>, %reduce_min3A_462, %reduce_min3A_463 [1, 2] : vector<1x224x224xf32> to vector<1xf32>
    %reduce_min3A_465 = vector.shape_cast %reduce_min3A_464 : vector<1xf32> to vector<1x1x1xf32>
    %reduce_min3A_466 = vector.extract %reduce_min3A_465[0, 0, 0] : f32 from vector<1x1x1xf32>
    %reduce_max3A_467 = vector.shape_cast %div3A_461 : vector<224x224xf32> to vector<1x224x224xf32>
    %reduce_max3A_468 = arith.constant dense<0xFF800000> : vector<1xf32>
    %reduce_max3A_469 = vector.multi_reduction <maximumf>, %reduce_max3A_467, %reduce_max3A_468 [1, 2] : vector<1x224x224xf32> to vector<1xf32>
    %reduce_max3A_470 = vector.shape_cast %reduce_max3A_469 : vector<1xf32> to vector<1x1x1xf32>
    %reduce_max3A_471 = vector.extract %reduce_max3A_470[0, 0, 0] : f32 from vector<1x1x1xf32>
    %sub3A_472 = vector.broadcast %reduce_min3A_466 : f32 to vector<224x224xf32>
    %sub3A_473 = arith.subf %div3A_461, %sub3A_472 : vector<224x224xf32>
    %sub3A_474 = arith.subf %reduce_max3A_471, %reduce_min3A_466 : f32
    %div3A_475 = vector.broadcast %sub3A_474 : f32 to vector<224x224xf32>
    %div3A_476 = arith.divf %sub3A_473, %div3A_475 : vector<224x224xf32>
    %eq3A_477 = arith.constant 0.000000e+00 : f32
    %eq3A_478 = vector.broadcast %eq3A_477 : f32 to vector<224x224xf32>
    %eq3A_479 = arith.cmpf oeq, %slice3A_449, %eq3A_478 : vector<224x224xf32>
    %jit3A_480 = arith.constant -1.000000e+00 : f32
    %broadcast_in_dim3A_481 = vector.broadcast %jit3A_480 : f32 to vector<224x224xf32>
    %select_n3A_482 = arith.select %eq3A_479, %broadcast_in_dim3A_481, %div3A_476 : vector<224x224xi1>, vector<224x224xf32>
    %broadcast_in_dim3A_483 = vector.shape_cast %select_n3A_482 : vector<224x224xf32> to vector<1x224x224xf32>
    %broadcast_in_dim3A_484 = vector.shape_cast %broadcast_in_dim3A_483 : vector<1x224x224xf32> to vector<1x224x224xf32>
    %broadcast_in_dim3A_485 = vector.broadcast %broadcast_in_dim3A_484 : vector<1x224x224xf32> to vector<3x224x224xf32>
    %swap3A_486 = arith.constant 3 : index
    %swap3A_487 = arith.constant 0 : index
    %swap3A_488 = arith.constant 0 : index
    %swap3A_489 = arith.constant 0 : index
    %swap3A_490 = vector.load %arg2[%swap3A_486, %swap3A_487, %swap3A_488, %swap3A_489] : memref<4x3x224x224xf32, #tpu.memory_space<vmem>>, vector<1x3x224x224xf32>
    %swap3A_491 = vector.shape_cast %swap3A_490 : vector<1x3x224x224xf32> to vector<3x224x224xf32>
    %swap3A_492 = vector.shape_cast %broadcast_in_dim3A_485 : vector<3x224x224xf32> to vector<1x3x224x224xf32>
    tpu.vector_store %arg2[%swap3A_486, %swap3A_487, %swap3A_488, %swap3A_489], %swap3A_492 {strides = array<i32>} : memref<4x3x224x224xf32, #tpu.memory_space<vmem>>, vector<1x3x224x224xf32>,
    return
  }
  func.func @transform_0(%arg0: i32) -> (i32, i32, i32) {
    %c0_i32 = arith.constant 0 : i32
    %c0_i32_0 = arith.constant 0 : i32
    %c0_i32_1 = arith.constant 0 : i32
    return %arg0, %c0_i32, %c0_i32_0 : i32, i32, i32
  }
  func.func @transform_1(%arg0: i32) -> (i32, i32, i32, i32) {
    %c0_i32 = arith.constant 0 : i32
    %c0_i32_0 = arith.constant 0 : i32
    %c0_i32_1 = arith.constant 0 : i32
    %c0_i32_2 = arith.constant 0 : i32
    return %arg0, %c0_i32, %c0_i32_0, %c0_i32_1 : i32, i32, i32, i32
  }
}

</mosaic_0001>

<sc_bundles>
// kernel: kernel.4.cloned.1.call-start
scs
__scs_entry_jumppad:
0x0: {  	(pc) =	sbr.rel $0x88, $3  }
0x1: {  	(tag) =	ssettag $0x0;
	lr =	simm.s32 $0x1  }
0x2: {  	[smem:$0x3FA0] =	sst lr;
	_ =	strace $0xD0000000  }
0x3: {  	_ = 	snop  }
0x4: {  	_ = 	snop  }
0x5: {  	_ = 	snop  }
0x6: {  	_ = 	snop  }
0x7: {  	_ = 	snop  }
__scs_overlays_trampoline_lowered:
0x8: {  	[smem:$0x3FAF] =	sst s0  }
0x9: {  	[smem:$0x3FB0] =	sst s1  }
0xa: {  	[smem:$0x3FB1] =	sst s2  }
0xb: {  	[smem:$0x3FB2] =	sst s3  }
0xc: {  	[smem:$0x3FB3] =	sst s4  }
0xd: {  	[smem:$0x3FB4] =	sst s5  }
0xe: {  	[smem:$0x3FB5] =	sst s6  }
0xf: {  	[smem:$0x3FB6] =	sst s7  }
0x10: {  	[smem:$0x3FB7] =	sst s8  }
0x11: {  	[smem:$0x3FB8] =	sst s9;
	s0 =	simm.s32 @!p0 $0x0  }
0x12: {  	s1 =	sld [smem:$0x3F9E];
	s0 =	simm.s32 @p0 $0x1  }
0x13: {  	[smem:$0x3FB9] =	sst s0;
	s0 =	simm.s32 @!p1 $0x0  }
0x14: {  	s2 =	sld [smem:$0x3F9D];
	s0 =	simm.s32 @p1 $0x1  }
0x15: {  	[smem:$0x3FBA] =	sst s0;
	s0 =	simm.s32 @!p2 $0x0  }
0x16: {  	s3 =	sld [smem:$0x3FDB];
	s0 =	simm.s32 @p2 $0x1  }
0x17: {  	s4 =	simm.s32 $0x1BF5;
	[smem:$0x3FBC] =	sst s0  }
0x18: {  	s0 =	sld [smem:$0x3F9F];
	_ =	swait.ge [sflag:s4], $0x0  }
0x19: {  	s7 =	sld [smem:$0x3FA0]  }
0x1a: {  	s8 =	sadd.s32 $0xFFFFE003, lr  }
0x1b: {  	s9 =	sadd.s32 $0xFFFFFEF7, lr;
	s5 =	simm.s32 $0xFFFFFFFF;
	p2 =	slt.u32 s8, $0xFFFFF086  }
0x1c: {  	p1 =	slt.u32 s9, $0xF7A;
	s5 =	simm.s32 @!p2 $0x0  }
0x1d: {  	s5 =	simm.s32 @p1 $0x1;
	p0 =	seq.s32 s7, s2  }
0x1e: {  	s7 =	smul.u32 @!p0 $0xF7A, s2;
	p2 =	seq.s32 @!p0 s5, $0x0  }
0x1f: {  	s9 =	smul.u32 $0xF7A, s1;
	s8 =	simm.s32 @!p0 $0x1BF5;
	p2 =	por !p2, p0  }
0x20: {  	[sflag:s8] =	ssyncset.s32 @!p0 $0xFFFFF086;
	s6 =	sadd.s32 @!p0 s3, s7;
	s7 =	simm.s32 @!p0 $0x108  }
0x21: {  	s3 =	sadd.s32 s3, s9;
	s6 =	sadd.s32 @!p0 $0x88, s6;
	s7 =	simm.s32 @p2 $0x1082  }
0x22: {  	[simem:s7], [sflag:s8] =	dma.local @!p0 [hbm:s6], $0xF7A  }
0x23: {  	s9 =	sor.u32 $0xD0000000, s2;
	s6 =	simm.s32 $0x108;
	_ =	swait.ge @!p0 [sflag:s8], $0x0  }
0x24: {  	s3 =	sadd.s32 $0x88, s3;
	s6 =	simm.s32 @!p1 $0x1082;
	[sflag:s4] =	ssyncset.s32 $0xFFFFF086  }
0x25: {  	[simem:s6], [sflag:s4] =	dma.local [hbm:s3], $0xF7A  }
0x26: {  	[smem:$0x3FA0] =	sst s1;
	(tag) =	ssettag s2;
	_ =	strace s9  }
0x27: {  	s1 =	sld [smem:$0x3FB0]  }
0x28: {  	s2 =	sld [smem:$0x3FB1]  }
0x29: {  	s4 =	sld [smem:$0x3FB3]  }
0x2a: {  	p0 =	seq.s32 s5, $0x0;
	s5 =	sld [smem:$0x3FB4]  }
0x2b: {  	s6 =	sld [smem:$0x3FB5]  }
0x2c: {  	s7 =	sld [smem:$0x3FB6]  }
0x2d: {  	s3 =	simm.s32 $0x108;
	s8 =	sld [smem:$0x3FB7]  }
0x2e: {  	s3 =	simm.s32 @!p0 $0x1082;
	s9 =	sld [smem:$0x3FB8]  }
0x2f: {  	lr =	sadd.s32 s0, s3;
	s0 =	sld [smem:$0x3FAF]  }
0x30: {  	s3 =	sld [smem:$0x3FB2]  }
0x31: {  	[smem:$0x3FBB] =	sst s10  }
0x32: {  	s10 =	sld [smem:$0x3FB9];
	_ =	sdelay $0x3  }
0x33: {  	p0 =	seq.s32 s10, $0x1;
	s10 =	sld [smem:$0x3FBB];
	_ =	sdelay $0x3  }
0x34: {  	[smem:$0x3FBB] =	sst s10  }
0x35: {  	s10 =	sld [smem:$0x3FBA];
	_ =	sdelay $0x3  }
0x36: {  	p1 =	seq.s32 s10, $0x1;
	s10 =	sld [smem:$0x3FBB];
	_ =	sdelay $0x3  }
0x37: {  	[smem:$0x3FBB] =	sst s10  }
0x38: {  	s10 =	sld [smem:$0x3FBC]  }
0x39: {  	_ = 	snop;
	(pc) =	sbr.ind lr, $3  }
0x3a: {  	_ = 	snop  }
0x3b: {  	_ = 	snop  }
0x3c: {  	p2 =	seq.s32 s10, $0x1;
	s10 =	sld [smem:$0x3FBB]  }
0x3d: {  	_ =	shalt  }
0x3e: {  	_ =	shalt  }
0x3f: {  	_ =	shalt  }
0x40: {  	_ =	shalt  }
0x41: {  	_ =	shalt  }
0x42: {  	_ =	shalt  }
0x43: {  	_ =	shalt  }
0x44: {  	_ =	shalt  }
0x45: {  	_ =	shalt  }
0x46: {  	_ =	shalt  }
0x47: {  	_ =	shalt  }
0x48: {  	_ =	shalt  }
0x49: {  	_ =	shalt  }
0x4a: {  	_ =	shalt  }
0x4b: {  	_ =	shalt  }
0x4c: {  	_ =	shalt  }
0x4d: {  	_ =	shalt  }
0x4e: {  	_ =	shalt  }
0x4f: {  	_ =	shalt  }
0x50: {  	_ =	shalt  }
0x51: {  	_ =	shalt  }
0x52: {  	_ =	shalt  }
0x53: {  	_ =	shalt  }
0x54: {  	_ =	shalt  }
0x55: {  	_ =	shalt  }
0x56: {  	_ =	shalt  }
0x57: {  	_ =	shalt  }
0x58: {  	_ =	shalt  }
0x59: {  	_ =	shalt  }
0x5a: {  	_ =	shalt  }
0x5b: {  	_ =	shalt  }
0x5c: {  	_ =	shalt  }
0x5d: {  	_ =	shalt  }
0x5e: {  	_ =	shalt  }
0x5f: {  	_ =	shalt  }
0x60: {  	_ =	shalt  }
0x61: {  	_ =	shalt  }
0x62: {  	_ =	shalt  }
0x63: {  	_ =	shalt  }
0x64: {  	_ =	shalt  }
0x65: {  	_ =	shalt  }
0x66: {  	_ =	shalt  }
0x67: {  	_ =	shalt  }
0x68: {  	_ =	shalt  }
0x69: {  	_ =	shalt  }
0x6a: {  	_ =	shalt  }
0x6b: {  	_ =	shalt  }
0x6c: {  	_ =	shalt  }
0x6d: {  	_ =	shalt  }
0x6e: {  	_ =	shalt  }
0x6f: {  	_ =	shalt  }
0x70: {  	_ =	shalt  }
0x71: {  	_ =	shalt  }
0x72: {  	_ =	shalt  }
0x73: {  	_ =	shalt  }
0x74: {  	_ =	shalt  }
0x75: {  	_ =	shalt  }
0x76: {  	_ =	shalt  }
0x77: {  	_ =	shalt  }
0x78: {  	_ =	shalt  }
0x79: {  	_ =	shalt  }
0x7a: {  	_ =	shalt  }
0x7b: {  	_ =	shalt  }
0x7c: {  	_ =	shalt  }
0x7d: {  	_ =	shalt  }
0x7e: {  	_ =	shalt  }
0x7f: {  	_ =	shalt  }
0x80: {  	_ =	shalt  }
0x81: {  	_ =	shalt  }
0x82: {  	_ =	shalt  }
0x83: {  	_ =	shalt  }
0x84: {  	_ =	shalt  }
0x85: {  	_ =	shalt  }
0x86: {  	_ =	shalt  }
0x87: {  	_ =	shalt  }
.Lfunc_end0:
.L_simem_size_0:
called_computation_lowered:
.L_overlay_start_0:
0x88: {  	s2 =	sld [smem:$0x3FD9]  }
0x89: {  	s3 =	sld [smem:$0x3FFE];
	_ =	sdelay $0x1  }
0x8a: {  	s1 =	srdreg.scid  }
0x8b: {  	s0 =	sand.u32 $0x1, s1  }
0x8c: {  	s17 =	sshll.u32 s0, $0xA;
	s2 =	sadd.s32 s3, s2  }
0x8d: {  	s2 =	sadd.s32 s2, s17  }
0x8e: {  	[smem:$0x3FC7] =	sst s2  }
0x8f: {  	_ = 	snop  }
0x90: {  	s2 =	sld [smem:$0x3FD0];
	(tm) =	ssettm $0x1  }
0x91: {  	s18 =	sld [smem:$0x3FFB];
	_ =	sdelay $0x3  }
0x92: {  	_ =	strace s18  }
0x93: {  	s3 =	sld [smem:$0x3FFC];
	_ =	sdelay $0x3  }
0x94: {  	_ =	strace s3  }
0x95: {  	s3 =	sld [smem:$0x3FFD];
	_ =	sdelay $0x3  }
0x96: {  	_ =	strace s3  }
0x97: {  	_ =	strace $0x8FFFFFFF  }
0x98: {  	s19 =	sld [smem:$0x3FDB];
	_ =	sdelay $0x1  }
0x99: {  	s4 =	simm.s32 $_scs_section_size  }
0x9a: {  	s5 =	simm.s32 $_size__tile_overlayer_lowered;
	s6 =	simm.s32 $_tile_overlayer_lowered  }
0x9b: {  	s22 =	simm.s32 $0x1BFF;
	s21 =	sshll.u32 s6, $0x1;
	s3 =	sadd.s32 s4, s19  }
0x9c: {  	s7 =	simm.s32 $0x0;
	s20 =	sshll.u32 s5, $0x1;
	s5 =	sadd.s32 s21, s3  }
0x9d: {  	[timem:s7], [sflag:s22] =	dma.local [hbm:s5], s20  }
0x9e: {  	_ =	swait.ge [sflag:s22], s20  }
0x9f: {  	s4 =	ssub.s32 $0x0, s20;
	[sflag:s22] =	ssyncset.done $0x0  }
0xa0: {  	[sflag:s22] =	ssyncadd.s32 s4;
	_ =	sdelay $0x1  }
0xa1: {  	s23 =	simm.s32 $0x1B8B  }
0xa2: {  	_ =	swait.ge [sflag:s23], $0x1  }
0xa3: {  	[sflag:s23] =	ssyncset.done $0x0  }
0xa4: {  	s25 =	simm.s32 $0x1B8E;
	s24 =	sld [smem:$0x3FFE];
	[sflag:s23] =	ssyncadd.s32 $0xFFFFFFFF  }
0xa5: {  	s26 =	simm.s32 $execute0_lowered;
	[smem:$0x3FD2] =	sst s25  }
0xa6: {  	s5 =	sshll.u32 s26, $0x1;
	_ =	strace $0x80000046;
	[dreg:$0x1] =	wrdreg $0xFFFFFFFF  }
0xa7: {  	s28 =	simm.s32 $_size_execute0_lowered;
	s3 =	sadd.s32 s3, s5;
	[dreg:$0x0] =	wrdreg $0x0  }
0xa8: {  	s5 =	sshll.u32 s28, $0x1;
	[dreg:$0x2] =	wrdreg s3  }
0xa9: {  	[dreg:$0x3] =	wrdreg s5  }
0xaa: {  	[dreg:$0x4] =	wrdreg $0xC0  }
0xab: {  	_ =	task [dreg:s7], $0x5FFFF  }
0xac: {  	[dreg:$0x1] =	wrdreg $0xFFFFFFFF  }
0xad: {  	[dreg:$0x0] =	wrdreg $0x60  }
0xae: {  	[dreg:$0x2] =	wrdreg s24  }
0xaf: {  	[dreg:$0x3] =	wrdreg s2  }
0xb0: {  	[dreg:$0x4] =	wrdreg $0x9  }
0xb1: {  	_ =	task.clear_ibuf [dreg:s7], $0x5FFFF;
	_ =	strace $0x90000046  }
0xb2: {  	s29 =	simm.s32 $0x9;
	_ =	strace $0x80000048  }
0xb3: {  	_ =	swait.ge [sflag:s29], $0x1  }
0xb4: {  	[sflag:s29] =	ssyncadd.s32 $0xFFFFFFFF  }
0xb5: {  	_ =	strace $0x90000048  }
0xb6: {  	_ =	sfence  }
0xb7: {  	s30 =	sld [smem:$0x0];
	_ =	sdelay $0x2  }
0xb8: {  	s31 =	sshll.u32 s1, $0xD;
	s1 =	sshrl.u32 s1, $0x2  }
0xb9: {  	s3 =	sand.u32 $0x4000, s31;
	s1 =	sadd.s32 s1, s30  }
0xba: {  	s0 =	sor.u32 s3, s0;
	s1 =	sshll.u32 s1, $0x11  }
0xbb: {  	s0 =	sor.u32 s1, s0  }
0xbc: {  	s0 =	sadd.s32 $0x8F2B, s0  }
0xbd: {  	[sflag:s0] =	ssyncadd.remote.s32 $0x1  }
0xbe: {  	_ =	sfence.sel $0xFFFF  }
0xbf: {  	[dreg:$0x0] =	wrdreg $0xFFFFFFFF;
	(pc) =	sbr.abs _section_cstart, $3  }
0xc0: {  	[dreg:$0x1] =	wrdreg $0xFFFFFFFF  }
0xc1: {  	_ =	task.clear_ibuf [dreg:s7], $0x2FFFF;
	_ =	strace $0x9FFFFFFF  }
0xc2: {  	(tm) =	ssettm $0x7FFFFFFF  }
0xc3: {  	_ =	shalt  }
tec
execute0_lowered:
.L_overlay_start_1:
0x0: {  	(tag) =	ssettag $0x1  }
0x1: {  	s1 =	stileid.u32  }
0x2: {  	p0 =	sgt.u32 s1, $0xB  }
.Ltmp0:
0x3: {  	_ = 	snop;
	(pc) =	sbr.rel @p0 .LBB2_7-.Ltmp0, $4  }
0x4: {  	s5 =	rddreg [dreg:$0x0]  }
0x5: {  	s3 =	rddreg [dreg:$0x1];
	s2 =	simm.s32 $0x0  }
0x6: {  	[smem:$0x7FF] =	sst s2  }
0x7: {  	s0 =	rddreg [dreg:$0x2];
	_ =	strace $0x80000047  }
0x8: {  	s4 =	srdreg.scid;
	s6 =	sshll.u32 s1, $0x1  }
0x9: {  	s8 =	sadd.s32 $0x18000, s5;
	s10 =	simm.s32 $0x10000;
	s4 =	sand.u32 $0x1, s4  }
0xa: {  	s11 =	simm.s32 $0x3;
	s6 =	sor.u32 s4, s6;
	s4 =	ssub.s32 $0x2, s4  }
0xb: {  	s7 =	smul.u32 $0x1D00, s6;
	s9 =	sshrl.u32 s4, $0x1;
	s6 =	sshll.u32 s6, $0xC  }
0xc: {  	s12 =	simm.s32 $0x0;
	s31 =	ssub.s32 s4, s9;
	s4 =	sadd.s32 s8, s6  }
0xd: {  	s5 =	sadd.s32 s5, s6;
	s8 =	simm.s32 $0x1;
	s9 =	simm.s32 $0x2  }
0xe: {  	v0 =	vimm.f32 $0.0e+00;
	s3 =	sadd.s32 s3, s7;
	s6 =	smax.u32 s31, $0x1;
	s7 =	simm.s32 $0x8000  }
.LBB2_2:
0xf: {  	[tilespmem:s2], [sflag:$0x1] =	stream.linear.gather [hbm4b:s5+s2], $0x8000, $0x38;
	[tilespmem:$0x1E800] =	vst v63  }
0x10: {  	s13 =	simm.s32 $0x10040  }
0x11: {  	[tilespmem:s7], [sflag:$0x2] =	stream.linear.gather [hbm4b:s4+s2], $0x8000, $0x38;
	[tilespmem:$0x1E800] =	vst v63  }
0x12: {  	[tilespmem:s13+$0xFFFFFFC0] =	vst v0  }
0x13: {  	[tilespmem:s13+$0x30] =	vst v0  }
0x14: {  	[tilespmem:s13+$0x20] =	vst v0  }
0x15: {  	[tilespmem:s13+$0x10] =	vst v0  }
0x16: {  	[tilespmem:s13+$0x0] =	vst v0  }
0x17: {  	[tilespmem:s13+$0xFFFFFFF0] =	vst v0  }
0x18: {  	s14 =	simm.s32 $0x0;
	[tilespmem:s13+$0xFFFFFFE0] =	vst v0  }
.LBB2_3:
0x19: {  	s14 =	sadd.s32 $0x8, s14;
	[tilespmem:s13+$0xFFFFFFD0] =	vst v0;
	s13 =	sadd.s32 $0x80, s13  }
0x1a: {  	[tilespmem:s13+$0xFFFFFFC0] =	vst v0;
	p0 =	slt.u32 s14, $0xE78  }
0x1b: {  	[tilespmem:s13+$0x30] =	vst v0  }
.Ltmp1:
0x1c: {  	[tilespmem:s13+$0x20] =	vst v0;
	(pc) =	sbr.rel @p0 .LBB2_3-.Ltmp1, $4  }
0x1d: {  	[tilespmem:s13+$0x10] =	vst v0  }
0x1e: {  	[tilespmem:s13+$0x0] =	vst v0  }
0x1f: {  	[tilespmem:s13+$0xFFFFFFF0] =	vst v0  }
0x20: {  	[tilespmem:s13+$0xFFFFFFE0] =	vst v0  }
0x21: {  	[tilespmem:s13+$0xFFFFFFD0] =	vst v0  }
0x22: {  	_ =	swait.ge [sflag:s8], $0x8000  }
0x23: {  	[sflag:s8] =	ssyncset.done $0x0  }
0x24: {  	[sflag:s8] =	ssyncadd.s32 $0xFFFF8000  }
0x25: {  	_ =	swait.ge [sflag:s9], $0x8000  }
0x26: {  	s13 =	simm.s32 $0xFFFFFFF8;
	[sflag:s9] =	ssyncset.done $0x0  }
0x27: {  	s14 =	simm.s32 $0x40;
	s15 =	simm.s32 $0x8040;
	[sflag:s9] =	ssyncadd.s32 $0xFFFF8000  }
.LBB2_5:
0x28: {  	v1 =	vld [tilespmem:s14+$0xFFFFFFC0];
	_ =	sdelay $0x2  }
0x29: {  	v2 =	vld [tilespmem:s15+$0xFFFFFFC0];
	_ =	sdelay $0x4  }
0x2a: {  	[tilespmem:v1+s10+$0x0] =	vst.idx.add.f32.msk $0xffff, v2  }
0x2b: {  	v1 =	vld [tilespmem:s14+$0xFFFFFFD0];
	_ =	sdelay $0x2  }
0x2c: {  	v2 =	vld [tilespmem:s15+$0xFFFFFFD0];
	_ =	sdelay $0x4  }
0x2d: {  	[tilespmem:v1+s10+$0x0] =	vst.idx.add.f32.msk $0xffff, v2  }
0x2e: {  	v1 =	vld [tilespmem:s14+$0xFFFFFFE0];
	_ =	sdelay $0x2  }
0x2f: {  	v2 =	vld [tilespmem:s15+$0xFFFFFFE0];
	_ =	sdelay $0x4  }
0x30: {  	[tilespmem:v1+s10+$0x0] =	vst.idx.add.f32.msk $0xffff, v2  }
0x31: {  	v1 =	vld [tilespmem:s14+$0xFFFFFFF0];
	_ =	sdelay $0x2  }
0x32: {  	v2 =	vld [tilespmem:s15+$0xFFFFFFF0];
	_ =	sdelay $0x4  }
0x33: {  	[tilespmem:v1+s10+$0x0] =	vst.idx.add.f32.msk $0xffff, v2  }
0x34: {  	v1 =	vld [tilespmem:s14+$0x0];
	_ =	sdelay $0x2  }
0x35: {  	v2 =	vld [tilespmem:s15+$0x0];
	_ =	sdelay $0x4  }
0x36: {  	[tilespmem:v1+s10+$0x0] =	vst.idx.add.f32.msk $0xffff, v2  }
0x37: {  	v1 =	vld [tilespmem:s14+$0x10];
	_ =	sdelay $0x2  }
0x38: {  	v2 =	vld [tilespmem:s15+$0x10];
	_ =	sdelay $0x4  }
0x39: {  	[tilespmem:v1+s10+$0x0] =	vst.idx.add.f32.msk $0xffff, v2  }
0x3a: {  	v1 =	vld [tilespmem:s14+$0x20];
	_ =	sdelay $0x2  }
0x3b: {  	v2 =	vld [tilespmem:s15+$0x20];
	_ =	sdelay $0x4  }
0x3c: {  	[tilespmem:v1+s10+$0x0] =	vst.idx.add.f32.msk $0xffff, v2  }
0x3d: {  	v1 =	vld [tilespmem:s14+$0x30];
	_ =	sdelay $0x1  }
0x3e: {  	s13 =	sadd.s32 $0x8, s13  }
0x3f: {  	p0 =	slt.u32 s13, $0x7F8;
	v2 =	vld [tilespmem:s15+$0x30]  }
.Ltmp2:
0x40: {  	_ = 	snop;
	(pc) =	sbr.rel @p0 .LBB2_5-.Ltmp2, $2  }
0x41: {  	_ =	sdelay $0x2  }
0x42: {  	s14 =	sadd.s32 $0x80, s14;
	s15 =	sadd.s32 $0x80, s15;
	[tilespmem:v1+s10+$0x0] =	vst.idx.add.f32.msk $0xffff, v2  }
0x43: {  	s12 =	sadd.s32 $0x1, s12  }
0x44: {  	p0 =	sne.s32 s12, s6  }
.Ltmp3:
0x45: {  	_ = 	snop;
	(pc) =	sbr.rel @p0 .LBB2_2-.Ltmp3, $4  }
0x46: {  	[hbm4b:s3+s2] =	stream.linear.scatter [tilespmem:s10], [sflag:$0x3], $0xE800, $0x38;
	[tilespmem:$0x1E800] =	vst v63  }
0x47: {  	_ =	swait.ge [sflag:s11], $0xE800  }
0x48: {  	[sflag:s11] =	ssyncset.done $0x0  }
0x49: {  	[sflag:s11] =	ssyncadd.s32 $0xFFFF1800  }
.LBB2_7:
0x4a: {  	_ =	sfence.sel $0x180000  }
0x4b: {  	[bflag:$0x0] =	sbarrier.arrive $0xFFFF  }
0x4c: {  	p0 =	sne.s32 s1, $0x0;
	_ =	strace $0x90000047  }
0x4d: {  	s0 =	sadd.s32 @!p0 $0x100000, s0;
	[bflag:$0x2] =	sbarrier.arrive $0xFFFF  }
0x4e: {  	[sflag:s0] =	ssyncadd.tile.s32 @!p0 $0x1;
	_ =	shalt  }
.Lfunc_end2:
_tile_overlayer_lowered:
.L_overlay_start_2:
0x4f: {  	(tag) =	ssettag $0x2  }
0x50: {  	s0 =	rddreg [dreg:$0x0];
	s2 =	stileid.u32  }
0x51: {  	s1 =	rddreg [dreg:$0x1];
	p0 =	sne.s32 s2, $0x0  }
0x52: {  	s3 =	rddreg [dreg:$0x2];
	[bflag:$0x3] =	sbarrier.arrive $0xFFFF;
	s2 =	simm.s32 @!p0 $0x1C03  }
0x53: {  	[timem:s3], [sflag:s2] =	dma.local @!p0 [hbm:s0], s1  }
0x54: {  	s0 =	simm.s32 @!p0 $0x3  }
0x55: {  	_ =	swait.ge @!p0 [sflag:s0], s1  }
0x56: {  	s1 =	ssub.s32 @!p0 $0x0, s1;
	[sflag:s0] =	ssyncset.done @!p0 $0x0  }
0x57: {  	[sflag:s0] =	ssyncadd.s32 @!p0 s1  }
0x58: {  	[bflag:$0x3] =	sbarrier.arrive $0xFFFF  }
0x59: {  	_ =	shalt  }

</sc_bundles>
